<compile_context>
chip_gen: v7x
topology: tpu7x:2x2x1
jax: 0.10.2.dev20260603
libtpu: 0.0.44.dev20260713+nightly
codegen_flags: <defaults>
</compile_context>

<pallas_src>
import functools

import jax
import jax.numpy as jnp
from jax import lax
from jax.experimental import pallas as pl
from jax.experimental.pallas import tpu as pltpu
from jax.experimental.pallas import tpu_sc as plsc

_L = 16


def _sum_along_sc(xc, i0r, i1r, *, num_workers, chunk, nbuf):
    B = i0r.shape[0] * i0r.shape[1]
    D = 32
    b_per_w = B // num_workers
    n_chunks = b_per_w // chunk
    ng = n_chunks // nbuf

    mesh = plsc.VectorSubcoreMesh(core_axis_name="c", subcore_axis_name="s")

    scratch = [
        pltpu.VMEM((n_chunks, chunk), jnp.int32),
        pltpu.VMEM((n_chunks, chunk), jnp.int32),
    ]
    scratch += [pltpu.VMEM((chunk, 128), jnp.float32)] * (2 * nbuf)
    scratch += [pltpu.VMEM((chunk, D), jnp.float32)] * nbuf
    scratch += [pltpu.SemaphoreType.DMA] * (2 * nbuf)

    @functools.partial(
        pl.kernel,
        mesh=mesh,
        out_type=jax.ShapeDtypeStruct((B, D), jnp.float32),
        compiler_params=pltpu.CompilerParams(use_tc_tiling_on_sc=True),
        scratch_types=scratch,
    )
    def k(xc_hbm, i0_hbm, i1_hbm, out_hbm, *s):
        idx0_v, idx1_v = s[0], s[1]
        g0 = s[2:2 + nbuf]
        g1 = s[2 + nbuf:2 + 2 * nbuf]
        ob = s[2 + 2 * nbuf:2 + 3 * nbuf]
        gsem = s[2 + 3 * nbuf:2 + 4 * nbuf]
        osem = s[2 + 4 * nbuf:2 + 5 * nbuf]

        wid = lax.axis_index("s") * 2 + lax.axis_index("c")
        wrow = wid * n_chunks

        pltpu.sync_copy(i0_hbm.at[pl.ds(wrow, n_chunks)], idx0_v)
        pltpu.sync_copy(i1_hbm.at[pl.ds(wrow, n_chunks)], idx1_v)

        def issue(cc, b):
            pltpu.async_copy(xc_hbm.at[idx0_v.at[cc]], g0[b], gsem[b])
            pltpu.async_copy(xc_hbm.at[idx1_v.at[cc]], g1[b], gsem[b])

        def process(cc, b, wait_out):
            pltpu.make_async_copy(xc_hbm.at[idx0_v.at[cc]], g0[b],
                                  gsem[b]).wait()
            pltpu.make_async_copy(xc_hbm.at[idx1_v.at[cc]], g1[b],
                                  gsem[b]).wait()
            if wait_out:
                pltpu.make_async_copy(
                    ob[b], out_hbm.at[pl.ds(0, chunk)], osem[b]).wait()

            def add_body(r, _):
                for v in range(D // _L):
                    dst = pl.ds(v * _L, _L)
                    s1 = pl.ds(D + v * _L, _L)
                    ob[b][r, dst] = g0[b][r, dst] + g1[b][r, s1]
                return ()

            lax.fori_loop(0, chunk, add_body, (), unroll=4)
            pltpu.async_copy(
                ob[b], out_hbm.at[pl.ds((wrow + cc) * chunk, chunk)], osem[b])

        for b in range(nbuf):
            issue(b, b)
        for b in range(nbuf):
            process(b, b, wait_out=False)
            issue(b + nbuf, b)

        def turn(g, _):
            for b in range(nbuf):
                cc = g * nbuf + b
                process(cc, b, wait_out=True)
                issue(cc + nbuf, b)
            return ()

        lax.fori_loop(1, ng - 1, turn, ())

        for b in range(nbuf):
            process((ng - 1) * nbuf + b, b, wait_out=True)
        for b in range(nbuf):
            pltpu.make_async_copy(
                ob[b], out_hbm.at[pl.ds(0, chunk)], osem[b]).wait()

    return k(xc, i0r, i1r)


def kernel(x0, x1, i0, i1):
    z = jnp.zeros((x0.shape[0], 64), jnp.float32)
    xc = jnp.concatenate([x0, x1, z], axis=1)
    num_workers, chunk = 32, 64
    n_rows = i0.shape[0] * i0.shape[1] // chunk
    i0r = i0.astype(jnp.int32).reshape(n_rows, chunk)
    i1r = i1.astype(jnp.int32).reshape(n_rows, chunk)
    return _sum_along_sc(xc, i0r, i1r,
                         num_workers=num_workers, chunk=chunk, nbuf=2)

# --- scband reference (transcript-rebuilt; emitter-appended) ---
"""Pipeline reference for scband-sum-along-82162724372762 (READ-ONLY COPY).

The authoritative reference and input builder live on the scoring server;
editing this copy changes nothing except your own understanding.
"""

import jax, jax.numpy as jnp
import numpy as np


def setup_inputs(seed: int = 0) -> dict:
    key = jax.random.key(seed)
    k0, k1, k2, k3 = jax.random.split(key, 4)
    x0 = jax.random.normal(k0, (1000000, 32), dtype=jnp.float32)
    x1 = jax.random.normal(k1, (1000000, 32), dtype=jnp.float32)
    i0 = jax.random.randint(k2, (16384, 26), 0, 1000000, dtype=jnp.int64 if jax.config.jax_enable_x64 else jnp.int32)
    i1 = jax.random.randint(k3, (16384, 26), 0, 1000000, dtype=jnp.int64 if jax.config.jax_enable_x64 else jnp.int32)
    return {"x0": x0, "x1": x1, "i0": i0, "i1": i1}


def reference(x0, x1, i0, i1):
    # Return x0[i0.flatten(), :] + x1[i1.flatten(), :]
    g0 = jnp.take(x0, i0.reshape((-1,)), axis=0)
    g1 = jnp.take(x1, i1.reshape((-1,)), axis=0)
    return g0 + g1

if __name__ == "__main__":
    import jax
    _d = setup_inputs()
    print(jax.jit(kernel)(*tuple(_d.values())))

</pallas_src>

<mosaic_0001>
#map = affine_map<(d0, d1) -> (0, 0)>
module attributes {stable_mosaic.version = 14 : i64} {
  func.func @k(%arg0: i32, %arg1: i32, %arg2: memref<1000000x128xf32, #tpu.memory_space<hbm>>, %arg3: memref<6656x64xi32, #tpu.memory_space<hbm>>, %arg4: memref<6656x64xi32, #tpu.memory_space<hbm>>, %arg5: memref<425984x32xf32, #tpu.memory_space<hbm>>, %arg6: memref<208x64xi32, #tpu.memory_space<vmem>>, %arg7: memref<208x64xi32, #tpu.memory_space<vmem>>, %arg8: memref<64x128xf32, #tpu.memory_space<vmem>>, %arg9: memref<64x128xf32, #tpu.memory_space<vmem>>, %arg10: memref<64x128xf32, #tpu.memory_space<vmem>>, %arg11: memref<64x128xf32, #tpu.memory_space<vmem>>, %arg12: memref<64x32xf32, #tpu.memory_space<vmem>>, %arg13: memref<64x32xf32, #tpu.memory_space<vmem>>, %arg14: memref<!tpu.dma_semaphore, #tpu.memory_space<semaphore_mem>>, %arg15: memref<!tpu.dma_semaphore, #tpu.memory_space<semaphore_mem>>, %arg16: memref<!tpu.dma_semaphore, #tpu.memory_space<semaphore_mem>>, %arg17: memref<!tpu.dma_semaphore, #tpu.memory_space<semaphore_mem>>) attributes {dimension_semantics = [#tpu.dimension_semantics<core_parallel>, #tpu.dimension_semantics<subcore_parallel>], iteration_bounds = array<i64: 2, 16>, scalar_prefetch = 0 : i64, scratch_operands = 12 : i64, tpu.core_type = #tpu.core_type<sc_vector_subcore>, window_params = [{transform_indices = #map}, {transform_indices = #map}, {transform_indices = #map}, {transform_indices = #map}]} {
    %mul3A = arith.constant 2 : i32
    %mul3A_0 = arith.muli %arg1, %mul3A : i32
    %add3A = arith.addi %mul3A_0, %arg0 : i32
    %mul3A_1 = arith.constant 208 : i32
    %mul3A_2 = arith.muli %add3A, %mul3A_1 : i32
    "tpu.region"() ({
      %run_scoped3A = tpu.sem_alloc : memref<!tpu.dma_semaphore, #tpu.memory_space<semaphore_mem>>
      %dma_start3A_193 = arith.constant 0 : i32
      %dma_start3A_194 = tpu.memref_slice %arg3[%mul3A_2, %dma_start3A_193] : memref<6656x64xi32, #tpu.memory_space<hbm>> -> memref<208x64xi32, #tpu.memory_space<hbm>>
      %dma_start3A_195 = arith.constant 0 : i32
      %dma_start3A_196 = tpu.memref_slice %arg3[%mul3A_2, %dma_start3A_195] : memref<6656x64xi32, #tpu.memory_space<hbm>> -> memref<208x64xi32, #tpu.memory_space<hbm>>
      tpu.enqueue_dma source(%dma_start3A_196 : memref<208x64xi32, #tpu.memory_space<hbm>>) target(%arg6 : memref<208x64xi32, #tpu.memory_space<vmem>>) target_semaphore(%run_scoped3A : memref<!tpu.dma_semaphore, #tpu.memory_space<semaphore_mem>>)
      %dma_wait3A_197 = arith.constant 0 : i32
      %dma_wait3A_198 = tpu.memref_slice %arg3[%mul3A_2, %dma_wait3A_197] : memref<6656x64xi32, #tpu.memory_space<hbm>> -> memref<208x64xi32, #tpu.memory_space<hbm>>
      %dma_wait3A_199 = arith.constant 0 : i32
      %dma_wait3A_200 = tpu.memref_slice %arg3[%mul3A_2, %dma_wait3A_199] : memref<6656x64xi32, #tpu.memory_space<hbm>> -> memref<208x64xi32, #tpu.memory_space<hbm>>
      tpu.wait_dma2 semaphore(%run_scoped3A : memref<!tpu.dma_semaphore, #tpu.memory_space<semaphore_mem>>) src(%dma_wait3A_200 : memref<208x64xi32, #tpu.memory_space<hbm>>) dst(%arg6 : memref<208x64xi32, #tpu.memory_space<vmem>>)
      tpu.yield
    }) : () -> ()
    "tpu.region"() ({
      %run_scoped3A = tpu.sem_alloc : memref<!tpu.dma_semaphore, #tpu.memory_space<semaphore_mem>>
      %dma_start3A_193 = arith.constant 0 : i32
      %dma_start3A_194 = tpu.memref_slice %arg4[%mul3A_2, %dma_start3A_193] : memref<6656x64xi32, #tpu.memory_space<hbm>> -> memref<208x64xi32, #tpu.memory_space<hbm>>
      %dma_start3A_195 = arith.constant 0 : i32
      %dma_start3A_196 = tpu.memref_slice %arg4[%mul3A_2, %dma_start3A_195] : memref<6656x64xi32, #tpu.memory_space<hbm>> -> memref<208x64xi32, #tpu.memory_space<hbm>>
      tpu.enqueue_dma source(%dma_start3A_196 : memref<208x64xi32, #tpu.memory_space<hbm>>) target(%arg7 : memref<208x64xi32, #tpu.memory_space<vmem>>) target_semaphore(%run_scoped3A : memref<!tpu.dma_semaphore, #tpu.memory_space<semaphore_mem>>)
      %dma_wait3A_197 = arith.constant 0 : i32
      %dma_wait3A_198 = tpu.memref_slice %arg4[%mul3A_2, %dma_wait3A_197] : memref<6656x64xi32, #tpu.memory_space<hbm>> -> memref<208x64xi32, #tpu.memory_space<hbm>>
      %dma_wait3A_199 = arith.constant 0 : i32
      %dma_wait3A_200 = tpu.memref_slice %arg4[%mul3A_2, %dma_wait3A_199] : memref<6656x64xi32, #tpu.memory_space<hbm>> -> memref<208x64xi32, #tpu.memory_space<hbm>>
      tpu.wait_dma2 semaphore(%run_scoped3A : memref<!tpu.dma_semaphore, #tpu.memory_space<semaphore_mem>>) src(%dma_wait3A_200 : memref<208x64xi32, #tpu.memory_space<hbm>>) dst(%arg7 : memref<208x64xi32, #tpu.memory_space<vmem>>)
      tpu.yield
    }) : () -> ()
    %dma_start3A = arith.constant 0 : i32
    %dma_start3A_3 = arith.constant 0 : i32
    %dma_start3A_4 = tpu.memref_slice %arg6[%dma_start3A, %dma_start3A_3] : memref<208x64xi32, #tpu.memory_space<vmem>> -> memref<1x64xi32, #tpu.memory_space<vmem>>
    %dma_start3A_5 = tpu.memref_squeeze %dma_start3A_4 : memref<1x64xi32, #tpu.memory_space<vmem>> -> memref<64xi32, #tpu.memory_space<vmem>>
    %dma_start3A_6 = arith.constant 0 : i32
    %dma_start3A_7 = arith.constant 0 : i32
    %dma_start3A_8 = tpu.memref_slice %arg2[%dma_start3A_6, %dma_start3A_7] : memref<1000000x128xf32, #tpu.memory_space<hbm>> -> memref<1000000x128xf32, #tpu.memory_space<hbm>>
    tpu.enqueue_indirect_dma source(%dma_start3A_8 : memref<1000000x128xf32, #tpu.memory_space<hbm>>) target(%arg8 : memref<64x128xf32, #tpu.memory_space<vmem>>) offsets(%dma_start3A_5 : memref<64xi32, #tpu.memory_space<vmem>>) semaphore(%arg14 : memref<!tpu.dma_semaphore, #tpu.memory_space<semaphore_mem>>)
    %dma_start3A_9 = arith.constant 0 : i32
    %dma_start3A_10 = arith.constant 0 : i32
    %dma_start3A_11 = tpu.memref_slice %arg7[%dma_start3A_9, %dma_start3A_10] : memref<208x64xi32, #tpu.memory_space<vmem>> -> memref<1x64xi32, #tpu.memory_space<vmem>>
    %dma_start3A_12 = tpu.memref_squeeze %dma_start3A_11 : memref<1x64xi32, #tpu.memory_space<vmem>> -> memref<64xi32, #tpu.memory_space<vmem>>
    %dma_start3A_13 = arith.constant 0 : i32
    %dma_start3A_14 = arith.constant 0 : i32
    %dma_start3A_15 = tpu.memref_slice %arg2[%dma_start3A_13, %dma_start3A_14] : memref<1000000x128xf32, #tpu.memory_space<hbm>> -> memref<1000000x128xf32, #tpu.memory_space<hbm>>
    tpu.enqueue_indirect_dma source(%dma_start3A_15 : memref<1000000x128xf32, #tpu.memory_space<hbm>>) target(%arg10 : memref<64x128xf32, #tpu.memory_space<vmem>>) offsets(%dma_start3A_12 : memref<64xi32, #tpu.memory_space<vmem>>) semaphore(%arg14 : memref<!tpu.dma_semaphore, #tpu.memory_space<semaphore_mem>>)
    %dma_start3A_16 = arith.constant 1 : i32
    %dma_start3A_17 = arith.constant 0 : i32
    %dma_start3A_18 = tpu.memref_slice %arg6[%dma_start3A_16, %dma_start3A_17] : memref<208x64xi32, #tpu.memory_space<vmem>> -> memref<1x64xi32, #tpu.memory_space<vmem>>
    %dma_start3A_19 = tpu.memref_squeeze %dma_start3A_18 : memref<1x64xi32, #tpu.memory_space<vmem>> -> memref<64xi32, #tpu.memory_space<vmem>>
    %dma_start3A_20 = arith.constant 0 : i32
    %dma_start3A_21 = arith.constant 0 : i32
    %dma_start3A_22 = tpu.memref_slice %arg2[%dma_start3A_20, %dma_start3A_21] : memref<1000000x128xf32, #tpu.memory_space<hbm>> -> memref<1000000x128xf32, #tpu.memory_space<hbm>>
    tpu.enqueue_indirect_dma source(%dma_start3A_22 : memref<1000000x128xf32, #tpu.memory_space<hbm>>) target(%arg9 : memref<64x128xf32, #tpu.memory_space<vmem>>) offsets(%dma_start3A_19 : memref<64xi32, #tpu.memory_space<vmem>>) semaphore(%arg15 : memref<!tpu.dma_semaphore, #tpu.memory_space<semaphore_mem>>)
    %dma_start3A_23 = arith.constant 1 : i32
    %dma_start3A_24 = arith.constant 0 : i32
    %dma_start3A_25 = tpu.memref_slice %arg7[%dma_start3A_23, %dma_start3A_24] : memref<208x64xi32, #tpu.memory_space<vmem>> -> memref<1x64xi32, #tpu.memory_space<vmem>>
    %dma_start3A_26 = tpu.memref_squeeze %dma_start3A_25 : memref<1x64xi32, #tpu.memory_space<vmem>> -> memref<64xi32, #tpu.memory_space<vmem>>
    %dma_start3A_27 = arith.constant 0 : i32
    %dma_start3A_28 = arith.constant 0 : i32
    %dma_start3A_29 = tpu.memref_slice %arg2[%dma_start3A_27, %dma_start3A_28] : memref<1000000x128xf32, #tpu.memory_space<hbm>> -> memref<1000000x128xf32, #tpu.memory_space<hbm>>
    tpu.enqueue_indirect_dma source(%dma_start3A_29 : memref<1000000x128xf32, #tpu.memory_space<hbm>>) target(%arg11 : memref<64x128xf32, #tpu.memory_space<vmem>>) offsets(%dma_start3A_26 : memref<64xi32, #tpu.memory_space<vmem>>) semaphore(%arg15 : memref<!tpu.dma_semaphore, #tpu.memory_space<semaphore_mem>>)
    %dma_wait3A = arith.constant 0 : i32
    %dma_wait3A_30 = arith.constant 0 : i32
    %dma_wait3A_31 = tpu.memref_slice %arg6[%dma_wait3A, %dma_wait3A_30] : memref<208x64xi32, #tpu.memory_space<vmem>> -> memref<1x64xi32, #tpu.memory_space<vmem>>
    %dma_wait3A_32 = tpu.memref_squeeze %dma_wait3A_31 : memref<1x64xi32, #tpu.memory_space<vmem>> -> memref<64xi32, #tpu.memory_space<vmem>>
    %dma_wait3A_33 = arith.constant 0 : i32
    %dma_wait3A_34 = arith.constant 0 : i32
    %dma_wait3A_35 = tpu.memref_slice %arg2[%dma_wait3A_33, %dma_wait3A_34] : memref<1000000x128xf32, #tpu.memory_space<hbm>> -> memref<1000000x128xf32, #tpu.memory_space<hbm>>
    tpu.wait_indirect_dma semaphore(%arg14 : memref<!tpu.dma_semaphore, #tpu.memory_space<semaphore_mem>>) src(%dma_wait3A_35 : memref<1000000x128xf32, #tpu.memory_space<hbm>>) dst(%arg8 : memref<64x128xf32, #tpu.memory_space<vmem>>)
    %dma_wait3A_36 = arith.constant 0 : i32
    %dma_wait3A_37 = arith.constant 0 : i32
    %dma_wait3A_38 = tpu.memref_slice %arg7[%dma_wait3A_36, %dma_wait3A_37] : memref<208x64xi32, #tpu.memory_space<vmem>> -> memref<1x64xi32, #tpu.memory_space<vmem>>
    %dma_wait3A_39 = tpu.memref_squeeze %dma_wait3A_38 : memref<1x64xi32, #tpu.memory_space<vmem>> -> memref<64xi32, #tpu.memory_space<vmem>>
    %dma_wait3A_40 = arith.constant 0 : i32
    %dma_wait3A_41 = arith.constant 0 : i32
    %dma_wait3A_42 = tpu.memref_slice %arg2[%dma_wait3A_40, %dma_wait3A_41] : memref<1000000x128xf32, #tpu.memory_space<hbm>> -> memref<1000000x128xf32, #tpu.memory_space<hbm>>
    tpu.wait_indirect_dma semaphore(%arg14 : memref<!tpu.dma_semaphore, #tpu.memory_space<semaphore_mem>>) src(%dma_wait3A_42 : memref<1000000x128xf32, #tpu.memory_space<hbm>>) dst(%arg10 : memref<64x128xf32, #tpu.memory_space<vmem>>)
    %scan3A = arith.constant 0 : i32
    %scan3A_43 = arith.constant 64 : i32
    %scan3A_44 = arith.addi %scan3A, %scan3A_43 : i32
    %scan3A_45 = arith.constant 4 : i32
    scf.for %scan3A_193 = %scan3A to %scan3A_44 step %scan3A_45  : i32 {
      %get3A = arith.index_cast %scan3A_193 : i32 to index
      %get3A_194 = arith.constant 0 : index
      %get3A_195 = tpu.vector_load %arg8[%get3A, %get3A_194] {strides = array<i32>} : memref<64x128xf32, #tpu.memory_space<vmem>>, vector<1x16xf32>,
      %get3A_196 = vector.shape_cast %get3A_195 : vector<1x16xf32> to vector<16xf32>
      %get3A_197 = arith.index_cast %scan3A_193 : i32 to index
      %get3A_198 = arith.constant 32 : index
      %get3A_199 = tpu.vector_load %arg10[%get3A_197, %get3A_198] {strides = array<i32>} : memref<64x128xf32, #tpu.memory_space<vmem>>, vector<1x16xf32>,
      %get3A_200 = vector.shape_cast %get3A_199 : vector<1x16xf32> to vector<16xf32>
      %add3A_201 = arith.addf %get3A_196, %get3A_200 : vector<16xf32>
      %swap3A = arith.index_cast %scan3A_193 : i32 to index
      %swap3A_202 = arith.constant 0 : index
      %swap3A_203 = tpu.vector_load %arg12[%swap3A, %swap3A_202] {strides = array<i32>} : memref<64x32xf32, #tpu.memory_space<vmem>>, vector<1x16xf32>,
      %swap3A_204 = vector.shape_cast %swap3A_203 : vector<1x16xf32> to vector<16xf32>
      %swap3A_205 = vector.shape_cast %add3A_201 : vector<16xf32> to vector<1x16xf32>
      tpu.vector_store %arg12[%swap3A, %swap3A_202], %swap3A_205 {strides = array<i32>} : memref<64x32xf32, #tpu.memory_space<vmem>>, vector<1x16xf32>,
      %get3A_206 = arith.index_cast %scan3A_193 : i32 to index
      %get3A_207 = arith.constant 16 : index
      %get3A_208 = tpu.vector_load %arg8[%get3A_206, %get3A_207] {strides = array<i32>} : memref<64x128xf32, #tpu.memory_space<vmem>>, vector<1x16xf32>,
      %get3A_209 = vector.shape_cast %get3A_208 : vector<1x16xf32> to vector<16xf32>
      %get3A_210 = arith.index_cast %scan3A_193 : i32 to index
      %get3A_211 = arith.constant 48 : index
      %get3A_212 = tpu.vector_load %arg10[%get3A_210, %get3A_211] {strides = array<i32>} : memref<64x128xf32, #tpu.memory_space<vmem>>, vector<1x16xf32>,
      %get3A_213 = vector.shape_cast %get3A_212 : vector<1x16xf32> to vector<16xf32>
      %add3A_214 = arith.addf %get3A_209, %get3A_213 : vector<16xf32>
      %swap3A_215 = arith.index_cast %scan3A_193 : i32 to index
      %swap3A_216 = arith.constant 16 : index
      %swap3A_217 = tpu.vector_load %arg12[%swap3A_215, %swap3A_216] {strides = array<i32>} : memref<64x32xf32, #tpu.memory_space<vmem>>, vector<1x16xf32>,
      %swap3A_218 = vector.shape_cast %swap3A_217 : vector<1x16xf32> to vector<16xf32>
      %swap3A_219 = vector.shape_cast %add3A_214 : vector<16xf32> to vector<1x16xf32>
      tpu.vector_store %arg12[%swap3A_215, %swap3A_216], %swap3A_219 {strides = array<i32>} : memref<64x32xf32, #tpu.memory_space<vmem>>, vector<1x16xf32>,
      %scan3A_220 = arith.constant 1 : i32
      %scan3A_221 = arith.addi %scan3A_193, %scan3A_220 : i32
      %get3A_222 = arith.index_cast %scan3A_221 : i32 to index
      %get3A_223 = arith.constant 0 : index
      %get3A_224 = tpu.vector_load %arg8[%get3A_222, %get3A_223] {strides = array<i32>} : memref<64x128xf32, #tpu.memory_space<vmem>>, vector<1x16xf32>,
      %get3A_225 = vector.shape_cast %get3A_224 : vector<1x16xf32> to vector<16xf32>
      %get3A_226 = arith.index_cast %scan3A_221 : i32 to index
      %get3A_227 = arith.constant 32 : index
      %get3A_228 = tpu.vector_load %arg10[%get3A_226, %get3A_227] {strides = array<i32>} : memref<64x128xf32, #tpu.memory_space<vmem>>, vector<1x16xf32>,
      %get3A_229 = vector.shape_cast %get3A_228 : vector<1x16xf32> to vector<16xf32>
      %add3A_230 = arith.addf %get3A_225, %get3A_229 : vector<16xf32>
      %swap3A_231 = arith.index_cast %scan3A_221 : i32 to index
      %swap3A_232 = arith.constant 0 : index
      %swap3A_233 = tpu.vector_load %arg12[%swap3A_231, %swap3A_232] {strides = array<i32>} : memref<64x32xf32, #tpu.memory_space<vmem>>, vector<1x16xf32>,
      %swap3A_234 = vector.shape_cast %swap3A_233 : vector<1x16xf32> to vector<16xf32>
      %swap3A_235 = vector.shape_cast %add3A_230 : vector<16xf32> to vector<1x16xf32>
      tpu.vector_store %arg12[%swap3A_231, %swap3A_232], %swap3A_235 {strides = array<i32>} : memref<64x32xf32, #tpu.memory_space<vmem>>, vector<1x16xf32>,
      %get3A_236 = arith.index_cast %scan3A_221 : i32 to index
      %get3A_237 = arith.constant 16 : index
      %get3A_238 = tpu.vector_load %arg8[%get3A_236, %get3A_237] {strides = array<i32>} : memref<64x128xf32, #tpu.memory_space<vmem>>, vector<1x16xf32>,
      %get3A_239 = vector.shape_cast %get3A_238 : vector<1x16xf32> to vector<16xf32>
      %get3A_240 = arith.index_cast %scan3A_221 : i32 to index
      %get3A_241 = arith.constant 48 : index
      %get3A_242 = tpu.vector_load %arg10[%get3A_240, %get3A_241] {strides = array<i32>} : memref<64x128xf32, #tpu.memory_space<vmem>>, vector<1x16xf32>,
      %get3A_243 = vector.shape_cast %get3A_242 : vector<1x16xf32> to vector<16xf32>
      %add3A_244 = arith.addf %get3A_239, %get3A_243 : vector<16xf32>
      %swap3A_245 = arith.index_cast %scan3A_221 : i32 to index
      %swap3A_246 = arith.constant 16 : index
      %swap3A_247 = tpu.vector_load %arg12[%swap3A_245, %swap3A_246] {strides = array<i32>} : memref<64x32xf32, #tpu.memory_space<vmem>>, vector<1x16xf32>,
      %swap3A_248 = vector.shape_cast %swap3A_247 : vector<1x16xf32> to vector<16xf32>
      %swap3A_249 = vector.shape_cast %add3A_244 : vector<16xf32> to vector<1x16xf32>
      tpu.vector_store %arg12[%swap3A_245, %swap3A_246], %swap3A_249 {strides = array<i32>} : memref<64x32xf32, #tpu.memory_space<vmem>>, vector<1x16xf32>,
      %scan3A_250 = arith.constant 2 : i32
      %scan3A_251 = arith.addi %scan3A_193, %scan3A_250 : i32
      %get3A_252 = arith.index_cast %scan3A_251 : i32 to index
      %get3A_253 = arith.constant 0 : index
      %get3A_254 = tpu.vector_load %arg8[%get3A_252, %get3A_253] {strides = array<i32>} : memref<64x128xf32, #tpu.memory_space<vmem>>, vector<1x16xf32>,
      %get3A_255 = vector.shape_cast %get3A_254 : vector<1x16xf32> to vector<16xf32>
      %get3A_256 = arith.index_cast %scan3A_251 : i32 to index
      %get3A_257 = arith.constant 32 : index
      %get3A_258 = tpu.vector_load %arg10[%get3A_256, %get3A_257] {strides = array<i32>} : memref<64x128xf32, #tpu.memory_space<vmem>>, vector<1x16xf32>,
      %get3A_259 = vector.shape_cast %get3A_258 : vector<1x16xf32> to vector<16xf32>
      %add3A_260 = arith.addf %get3A_255, %get3A_259 : vector<16xf32>
      %swap3A_261 = arith.index_cast %scan3A_251 : i32 to index
      %swap3A_262 = arith.constant 0 : index
      %swap3A_263 = tpu.vector_load %arg12[%swap3A_261, %swap3A_262] {strides = array<i32>} : memref<64x32xf32, #tpu.memory_space<vmem>>, vector<1x16xf32>,
      %swap3A_264 = vector.shape_cast %swap3A_263 : vector<1x16xf32> to vector<16xf32>
      %swap3A_265 = vector.shape_cast %add3A_260 : vector<16xf32> to vector<1x16xf32>
      tpu.vector_store %arg12[%swap3A_261, %swap3A_262], %swap3A_265 {strides = array<i32>} : memref<64x32xf32, #tpu.memory_space<vmem>>, vector<1x16xf32>,
      %get3A_266 = arith.index_cast %scan3A_251 : i32 to index
      %get3A_267 = arith.constant 16 : index
      %get3A_268 = tpu.vector_load %arg8[%get3A_266, %get3A_267] {strides = array<i32>} : memref<64x128xf32, #tpu.memory_space<vmem>>, vector<1x16xf32>,
      %get3A_269 = vector.shape_cast %get3A_268 : vector<1x16xf32> to vector<16xf32>
      %get3A_270 = arith.index_cast %scan3A_251 : i32 to index
      %get3A_271 = arith.constant 48 : index
      %get3A_272 = tpu.vector_load %arg10[%get3A_270, %get3A_271] {strides = array<i32>} : memref<64x128xf32, #tpu.memory_space<vmem>>, vector<1x16xf32>,
      %get3A_273 = vector.shape_cast %get3A_272 : vector<1x16xf32> to vector<16xf32>
      %add3A_274 = arith.addf %get3A_269, %get3A_273 : vector<16xf32>
      %swap3A_275 = arith.index_cast %scan3A_251 : i32 to index
      %swap3A_276 = arith.constant 16 : index
      %swap3A_277 = tpu.vector_load %arg12[%swap3A_275, %swap3A_276] {strides = array<i32>} : memref<64x32xf32, #tpu.memory_space<vmem>>, vector<1x16xf32>,
      %swap3A_278 = vector.shape_cast %swap3A_277 : vector<1x16xf32> to vector<16xf32>
      %swap3A_279 = vector.shape_cast %add3A_274 : vector<16xf32> to vector<1x16xf32>
      tpu.vector_store %arg12[%swap3A_275, %swap3A_276], %swap3A_279 {strides = array<i32>} : memref<64x32xf32, #tpu.memory_space<vmem>>, vector<1x16xf32>,
      %scan3A_280 = arith.constant 3 : i32
      %scan3A_281 = arith.addi %scan3A_193, %scan3A_280 : i32
      %get3A_282 = arith.index_cast %scan3A_281 : i32 to index
      %get3A_283 = arith.constant 0 : index
      %get3A_284 = tpu.vector_load %arg8[%get3A_282, %get3A_283] {strides = array<i32>} : memref<64x128xf32, #tpu.memory_space<vmem>>, vector<1x16xf32>,
      %get3A_285 = vector.shape_cast %get3A_284 : vector<1x16xf32> to vector<16xf32>
      %get3A_286 = arith.index_cast %scan3A_281 : i32 to index
      %get3A_287 = arith.constant 32 : index
      %get3A_288 = tpu.vector_load %arg10[%get3A_286, %get3A_287] {strides = array<i32>} : memref<64x128xf32, #tpu.memory_space<vmem>>, vector<1x16xf32>,
      %get3A_289 = vector.shape_cast %get3A_288 : vector<1x16xf32> to vector<16xf32>
      %add3A_290 = arith.addf %get3A_285, %get3A_289 : vector<16xf32>
      %swap3A_291 = arith.index_cast %scan3A_281 : i32 to index
      %swap3A_292 = arith.constant 0 : index
      %swap3A_293 = tpu.vector_load %arg12[%swap3A_291, %swap3A_292] {strides = array<i32>} : memref<64x32xf32, #tpu.memory_space<vmem>>, vector<1x16xf32>,
      %swap3A_294 = vector.shape_cast %swap3A_293 : vector<1x16xf32> to vector<16xf32>
      %swap3A_295 = vector.shape_cast %add3A_290 : vector<16xf32> to vector<1x16xf32>
      tpu.vector_store %arg12[%swap3A_291, %swap3A_292], %swap3A_295 {strides = array<i32>} : memref<64x32xf32, #tpu.memory_space<vmem>>, vector<1x16xf32>,
      %get3A_296 = arith.index_cast %scan3A_281 : i32 to index
      %get3A_297 = arith.constant 16 : index
      %get3A_298 = tpu.vector_load %arg8[%get3A_296, %get3A_297] {strides = array<i32>} : memref<64x128xf32, #tpu.memory_space<vmem>>, vector<1x16xf32>,
      %get3A_299 = vector.shape_cast %get3A_298 : vector<1x16xf32> to vector<16xf32>
      %get3A_300 = arith.index_cast %scan3A_281 : i32 to index
      %get3A_301 = arith.constant 48 : index
      %get3A_302 = tpu.vector_load %arg10[%get3A_300, %get3A_301] {strides = array<i32>} : memref<64x128xf32, #tpu.memory_space<vmem>>, vector<1x16xf32>,
      %get3A_303 = vector.shape_cast %get3A_302 : vector<1x16xf32> to vector<16xf32>
      %add3A_304 = arith.addf %get3A_299, %get3A_303 : vector<16xf32>
      %swap3A_305 = arith.index_cast %scan3A_281 : i32 to index
      %swap3A_306 = arith.constant 16 : index
      %swap3A_307 = tpu.vector_load %arg12[%swap3A_305, %swap3A_306] {strides = array<i32>} : memref<64x32xf32, #tpu.memory_space<vmem>>, vector<1x16xf32>,
      %swap3A_308 = vector.shape_cast %swap3A_307 : vector<1x16xf32> to vector<16xf32>
      %swap3A_309 = vector.shape_cast %add3A_304 : vector<16xf32> to vector<1x16xf32>
      tpu.vector_store %arg12[%swap3A_305, %swap3A_306], %swap3A_309 {strides = array<i32>} : memref<64x32xf32, #tpu.memory_space<vmem>>, vector<1x16xf32>,
    }
    %scan3A_46 = arith.constant 64 : i32
    %add3A_47 = arith.constant 0 : i32
    %add3A_48 = arith.addi %mul3A_2, %add3A_47 : i32
    %mul3A_49 = arith.constant 64 : i32
    %mul3A_50 = arith.muli %add3A_48, %mul3A_49 : i32
    %dma_start3A_51 = arith.constant 0 : i32
    %dma_start3A_52 = tpu.memref_slice %arg5[%mul3A_50, %dma_start3A_51] : memref<425984x32xf32, #tpu.memory_space<hbm>> -> memref<64x32xf32, #tpu.memory_space<hbm>>
    %dma_start3A_53 = arith.constant 0 : i32
    %dma_start3A_54 = tpu.memref_slice %arg5[%mul3A_50, %dma_start3A_53] : memref<425984x32xf32, #tpu.memory_space<hbm>> -> memref<64x32xf32, #tpu.memory_space<hbm>>
    tpu.enqueue_dma source(%arg12 : memref<64x32xf32, #tpu.memory_space<vmem>>) target(%dma_start3A_54 : memref<64x32xf32, #tpu.memory_space<hbm>>) target_semaphore(%arg16 : memref<!tpu.dma_semaphore, #tpu.memory_space<semaphore_mem>>)
    %dma_start3A_55 = arith.constant 2 : i32
    %dma_start3A_56 = arith.constant 0 : i32
    %dma_start3A_57 = tpu.memref_slice %arg6[%dma_start3A_55, %dma_start3A_56] : memref<208x64xi32, #tpu.memory_space<vmem>> -> memref<1x64xi32, #tpu.memory_space<vmem>>
    %dma_start3A_58 = tpu.memref_squeeze %dma_start3A_57 : memref<1x64xi32, #tpu.memory_space<vmem>> -> memref<64xi32, #tpu.memory_space<vmem>>
    %dma_start3A_59 = arith.constant 0 : i32
    %dma_start3A_60 = arith.constant 0 : i32
    %dma_start3A_61 = tpu.memref_slice %arg2[%dma_start3A_59, %dma_start3A_60] : memref<1000000x128xf32, #tpu.memory_space<hbm>> -> memref<1000000x128xf32, #tpu.memory_space<hbm>>
    tpu.enqueue_indirect_dma source(%dma_start3A_61 : memref<1000000x128xf32, #tpu.memory_space<hbm>>) target(%arg8 : memref<64x128xf32, #tpu.memory_space<vmem>>) offsets(%dma_start3A_58 : memref<64xi32, #tpu.memory_space<vmem>>) semaphore(%arg14 : memref<!tpu.dma_semaphore, #tpu.memory_space<semaphore_mem>>)
    %dma_start3A_62 = arith.constant 2 : i32
    %dma_start3A_63 = arith.constant 0 : i32
    %dma_start3A_64 = tpu.memref_slice %arg7[%dma_start3A_62, %dma_start3A_63] : memref<208x64xi32, #tpu.memory_space<vmem>> -> memref<1x64xi32, #tpu.memory_space<vmem>>
    %dma_start3A_65 = tpu.memref_squeeze %dma_start3A_64 : memref<1x64xi32, #tpu.memory_space<vmem>> -> memref<64xi32, #tpu.memory_space<vmem>>
    %dma_start3A_66 = arith.constant 0 : i32
    %dma_start3A_67 = arith.constant 0 : i32
    %dma_start3A_68 = tpu.memref_slice %arg2[%dma_start3A_66, %dma_start3A_67] : memref<1000000x128xf32, #tpu.memory_space<hbm>> -> memref<1000000x128xf32, #tpu.memory_space<hbm>>
    tpu.enqueue_indirect_dma source(%dma_start3A_68 : memref<1000000x128xf32, #tpu.memory_space<hbm>>) target(%arg10 : memref<64x128xf32, #tpu.memory_space<vmem>>) offsets(%dma_start3A_65 : memref<64xi32, #tpu.memory_space<vmem>>) semaphore(%arg14 : memref<!tpu.dma_semaphore, #tpu.memory_space<semaphore_mem>>)
    %dma_wait3A_69 = arith.constant 1 : i32
    %dma_wait3A_70 = arith.constant 0 : i32
    %dma_wait3A_71 = tpu.memref_slice %arg6[%dma_wait3A_69, %dma_wait3A_70] : memref<208x64xi32, #tpu.memory_space<vmem>> -> memref<1x64xi32, #tpu.memory_space<vmem>>
    %dma_wait3A_72 = tpu.memref_squeeze %dma_wait3A_71 : memref<1x64xi32, #tpu.memory_space<vmem>> -> memref<64xi32, #tpu.memory_space<vmem>>
    %dma_wait3A_73 = arith.constant 0 : i32
    %dma_wait3A_74 = arith.constant 0 : i32
    %dma_wait3A_75 = tpu.memref_slice %arg2[%dma_wait3A_73, %dma_wait3A_74] : memref<1000000x128xf32, #tpu.memory_space<hbm>> -> memref<1000000x128xf32, #tpu.memory_space<hbm>>
    tpu.wait_indirect_dma semaphore(%arg15 : memref<!tpu.dma_semaphore, #tpu.memory_space<semaphore_mem>>) src(%dma_wait3A_75 : memref<1000000x128xf32, #tpu.memory_space<hbm>>) dst(%arg9 : memref<64x128xf32, #tpu.memory_space<vmem>>)
    %dma_wait3A_76 = arith.constant 1 : i32
    %dma_wait3A_77 = arith.constant 0 : i32
    %dma_wait3A_78 = tpu.memref_slice %arg7[%dma_wait3A_76, %dma_wait3A_77] : memref<208x64xi32, #tpu.memory_space<vmem>> -> memref<1x64xi32, #tpu.memory_space<vmem>>
    %dma_wait3A_79 = tpu.memref_squeeze %dma_wait3A_78 : memref<1x64xi32, #tpu.memory_space<vmem>> -> memref<64xi32, #tpu.memory_space<vmem>>
    %dma_wait3A_80 = arith.constant 0 : i32
    %dma_wait3A_81 = arith.constant 0 : i32
    %dma_wait3A_82 = tpu.memref_slice %arg2[%dma_wait3A_80, %dma_wait3A_81] : memref<1000000x128xf32, #tpu.memory_space<hbm>> -> memref<1000000x128xf32, #tpu.memory_space<hbm>>
    tpu.wait_indirect_dma semaphore(%arg15 : memref<!tpu.dma_semaphore, #tpu.memory_space<semaphore_mem>>) src(%dma_wait3A_82 : memref<1000000x128xf32, #tpu.memory_space<hbm>>) dst(%arg11 : memref<64x128xf32, #tpu.memory_space<vmem>>)
    %scan3A_83 = arith.constant 0 : i32
    %scan3A_84 = arith.constant 64 : i32
    %scan3A_85 = arith.addi %scan3A_83, %scan3A_84 : i32
    %scan3A_86 = arith.constant 4 : i32
    scf.for %scan3A_193 = %scan3A_83 to %scan3A_85 step %scan3A_86  : i32 {
      %get3A = arith.index_cast %scan3A_193 : i32 to index
      %get3A_194 = arith.constant 0 : index
      %get3A_195 = tpu.vector_load %arg9[%get3A, %get3A_194] {strides = array<i32>} : memref<64x128xf32, #tpu.memory_space<vmem>>, vector<1x16xf32>,
      %get3A_196 = vector.shape_cast %get3A_195 : vector<1x16xf32> to vector<16xf32>
      %get3A_197 = arith.index_cast %scan3A_193 : i32 to index
      %get3A_198 = arith.constant 32 : index
      %get3A_199 = tpu.vector_load %arg11[%get3A_197, %get3A_198] {strides = array<i32>} : memref<64x128xf32, #tpu.memory_space<vmem>>, vector<1x16xf32>,
      %get3A_200 = vector.shape_cast %get3A_199 : vector<1x16xf32> to vector<16xf32>
      %add3A_201 = arith.addf %get3A_196, %get3A_200 : vector<16xf32>
      %swap3A = arith.index_cast %scan3A_193 : i32 to index
      %swap3A_202 = arith.constant 0 : index
      %swap3A_203 = tpu.vector_load %arg13[%swap3A, %swap3A_202] {strides = array<i32>} : memref<64x32xf32, #tpu.memory_space<vmem>>, vector<1x16xf32>,
      %swap3A_204 = vector.shape_cast %swap3A_203 : vector<1x16xf32> to vector<16xf32>
      %swap3A_205 = vector.shape_cast %add3A_201 : vector<16xf32> to vector<1x16xf32>
      tpu.vector_store %arg13[%swap3A, %swap3A_202], %swap3A_205 {strides = array<i32>} : memref<64x32xf32, #tpu.memory_space<vmem>>, vector<1x16xf32>,
      %get3A_206 = arith.index_cast %scan3A_193 : i32 to index
      %get3A_207 = arith.constant 16 : index
      %get3A_208 = tpu.vector_load %arg9[%get3A_206, %get3A_207] {strides = array<i32>} : memref<64x128xf32, #tpu.memory_space<vmem>>, vector<1x16xf32>,
      %get3A_209 = vector.shape_cast %get3A_208 : vector<1x16xf32> to vector<16xf32>
      %get3A_210 = arith.index_cast %scan3A_193 : i32 to index
      %get3A_211 = arith.constant 48 : index
      %get3A_212 = tpu.vector_load %arg11[%get3A_210, %get3A_211] {strides = array<i32>} : memref<64x128xf32, #tpu.memory_space<vmem>>, vector<1x16xf32>,
      %get3A_213 = vector.shape_cast %get3A_212 : vector<1x16xf32> to vector<16xf32>
      %add3A_214 = arith.addf %get3A_209, %get3A_213 : vector<16xf32>
      %swap3A_215 = arith.index_cast %scan3A_193 : i32 to index
      %swap3A_216 = arith.constant 16 : index
      %swap3A_217 = tpu.vector_load %arg13[%swap3A_215, %swap3A_216] {strides = array<i32>} : memref<64x32xf32, #tpu.memory_space<vmem>>, vector<1x16xf32>,
      %swap3A_218 = vector.shape_cast %swap3A_217 : vector<1x16xf32> to vector<16xf32>
      %swap3A_219 = vector.shape_cast %add3A_214 : vector<16xf32> to vector<1x16xf32>
      tpu.vector_store %arg13[%swap3A_215, %swap3A_216], %swap3A_219 {strides = array<i32>} : memref<64x32xf32, #tpu.memory_space<vmem>>, vector<1x16xf32>,
      %scan3A_220 = arith.constant 1 : i32
      %scan3A_221 = arith.addi %scan3A_193, %scan3A_220 : i32
      %get3A_222 = arith.index_cast %scan3A_221 : i32 to index
      %get3A_223 = arith.constant 0 : index
      %get3A_224 = tpu.vector_load %arg9[%get3A_222, %get3A_223] {strides = array<i32>} : memref<64x128xf32, #tpu.memory_space<vmem>>, vector<1x16xf32>,
      %get3A_225 = vector.shape_cast %get3A_224 : vector<1x16xf32> to vector<16xf32>
      %get3A_226 = arith.index_cast %scan3A_221 : i32 to index
      %get3A_227 = arith.constant 32 : index
      %get3A_228 = tpu.vector_load %arg11[%get3A_226, %get3A_227] {strides = array<i32>} : memref<64x128xf32, #tpu.memory_space<vmem>>, vector<1x16xf32>,
      %get3A_229 = vector.shape_cast %get3A_228 : vector<1x16xf32> to vector<16xf32>
      %add3A_230 = arith.addf %get3A_225, %get3A_229 : vector<16xf32>
      %swap3A_231 = arith.index_cast %scan3A_221 : i32 to index
      %swap3A_232 = arith.constant 0 : index
      %swap3A_233 = tpu.vector_load %arg13[%swap3A_231, %swap3A_232] {strides = array<i32>} : memref<64x32xf32, #tpu.memory_space<vmem>>, vector<1x16xf32>,
      %swap3A_234 = vector.shape_cast %swap3A_233 : vector<1x16xf32> to vector<16xf32>
      %swap3A_235 = vector.shape_cast %add3A_230 : vector<16xf32> to vector<1x16xf32>
      tpu.vector_store %arg13[%swap3A_231, %swap3A_232], %swap3A_235 {strides = array<i32>} : memref<64x32xf32, #tpu.memory_space<vmem>>, vector<1x16xf32>,
      %get3A_236 = arith.index_cast %scan3A_221 : i32 to index
      %get3A_237 = arith.constant 16 : index
      %get3A_238 = tpu.vector_load %arg9[%get3A_236, %get3A_237] {strides = array<i32>} : memref<64x128xf32, #tpu.memory_space<vmem>>, vector<1x16xf32>,
      %get3A_239 = vector.shape_cast %get3A_238 : vector<1x16xf32> to vector<16xf32>
      %get3A_240 = arith.index_cast %scan3A_221 : i32 to index
      %get3A_241 = arith.constant 48 : index
      %get3A_242 = tpu.vector_load %arg11[%get3A_240, %get3A_241] {strides = array<i32>} : memref<64x128xf32, #tpu.memory_space<vmem>>, vector<1x16xf32>,
      %get3A_243 = vector.shape_cast %get3A_242 : vector<1x16xf32> to vector<16xf32>
      %add3A_244 = arith.addf %get3A_239, %get3A_243 : vector<16xf32>
      %swap3A_245 = arith.index_cast %scan3A_221 : i32 to index
      %swap3A_246 = arith.constant 16 : index
      %swap3A_247 = tpu.vector_load %arg13[%swap3A_245, %swap3A_246] {strides = array<i32>} : memref<64x32xf32, #tpu.memory_space<vmem>>, vector<1x16xf32>,
      %swap3A_248 = vector.shape_cast %swap3A_247 : vector<1x16xf32> to vector<16xf32>
      %swap3A_249 = vector.shape_cast %add3A_244 : vector<16xf32> to vector<1x16xf32>
      tpu.vector_store %arg13[%swap3A_245, %swap3A_246], %swap3A_249 {strides = array<i32>} : memref<64x32xf32, #tpu.memory_space<vmem>>, vector<1x16xf32>,
      %scan3A_250 = arith.constant 2 : i32
      %scan3A_251 = arith.addi %scan3A_193, %scan3A_250 : i32
      %get3A_252 = arith.index_cast %scan3A_251 : i32 to index
      %get3A_253 = arith.constant 0 : index
      %get3A_254 = tpu.vector_load %arg9[%get3A_252, %get3A_253] {strides = array<i32>} : memref<64x128xf32, #tpu.memory_space<vmem>>, vector<1x16xf32>,
      %get3A_255 = vector.shape_cast %get3A_254 : vector<1x16xf32> to vector<16xf32>
      %get3A_256 = arith.index_cast %scan3A_251 : i32 to index
      %get3A_257 = arith.constant 32 : index
      %get3A_258 = tpu.vector_load %arg11[%get3A_256, %get3A_257] {strides = array<i32>} : memref<64x128xf32, #tpu.memory_space<vmem>>, vector<1x16xf32>,
      %get3A_259 = vector.shape_cast %get3A_258 : vector<1x16xf32> to vector<16xf32>
      %add3A_260 = arith.addf %get3A_255, %get3A_259 : vector<16xf32>
      %swap3A_261 = arith.index_cast %scan3A_251 : i32 to index
      %swap3A_262 = arith.constant 0 : index
      %swap3A_263 = tpu.vector_load %arg13[%swap3A_261, %swap3A_262] {strides = array<i32>} : memref<64x32xf32, #tpu.memory_space<vmem>>, vector<1x16xf32>,
      %swap3A_264 = vector.shape_cast %swap3A_263 : vector<1x16xf32> to vector<16xf32>
      %swap3A_265 = vector.shape_cast %add3A_260 : vector<16xf32> to vector<1x16xf32>
      tpu.vector_store %arg13[%swap3A_261, %swap3A_262], %swap3A_265 {strides = array<i32>} : memref<64x32xf32, #tpu.memory_space<vmem>>, vector<1x16xf32>,
      %get3A_266 = arith.index_cast %scan3A_251 : i32 to index
      %get3A_267 = arith.constant 16 : index
      %get3A_268 = tpu.vector_load %arg9[%get3A_266, %get3A_267] {strides = array<i32>} : memref<64x128xf32, #tpu.memory_space<vmem>>, vector<1x16xf32>,
      %get3A_269 = vector.shape_cast %get3A_268 : vector<1x16xf32> to vector<16xf32>
      %get3A_270 = arith.index_cast %scan3A_251 : i32 to index
      %get3A_271 = arith.constant 48 : index
      %get3A_272 = tpu.vector_load %arg11[%get3A_270, %get3A_271] {strides = array<i32>} : memref<64x128xf32, #tpu.memory_space<vmem>>, vector<1x16xf32>,
      %get3A_273 = vector.shape_cast %get3A_272 : vector<1x16xf32> to vector<16xf32>
      %add3A_274 = arith.addf %get3A_269, %get3A_273 : vector<16xf32>
      %swap3A_275 = arith.index_cast %scan3A_251 : i32 to index
      %swap3A_276 = arith.constant 16 : index
      %swap3A_277 = tpu.vector_load %arg13[%swap3A_275, %swap3A_276] {strides = array<i32>} : memref<64x32xf32, #tpu.memory_space<vmem>>, vector<1x16xf32>,
      %swap3A_278 = vector.shape_cast %swap3A_277 : vector<1x16xf32> to vector<16xf32>
      %swap3A_279 = vector.shape_cast %add3A_274 : vector<16xf32> to vector<1x16xf32>
      tpu.vector_store %arg13[%swap3A_275, %swap3A_276], %swap3A_279 {strides = array<i32>} : memref<64x32xf32, #tpu.memory_space<vmem>>, vector<1x16xf32>,
      %scan3A_280 = arith.constant 3 : i32
      %scan3A_281 = arith.addi %scan3A_193, %scan3A_280 : i32
      %get3A_282 = arith.index_cast %scan3A_281 : i32 to index
      %get3A_283 = arith.constant 0 : index
      %get3A_284 = tpu.vector_load %arg9[%get3A_282, %get3A_283] {strides = array<i32>} : memref<64x128xf32, #tpu.memory_space<vmem>>, vector<1x16xf32>,
      %get3A_285 = vector.shape_cast %get3A_284 : vector<1x16xf32> to vector<16xf32>
      %get3A_286 = arith.index_cast %scan3A_281 : i32 to index
      %get3A_287 = arith.constant 32 : index
      %get3A_288 = tpu.vector_load %arg11[%get3A_286, %get3A_287] {strides = array<i32>} : memref<64x128xf32, #tpu.memory_space<vmem>>, vector<1x16xf32>,
      %get3A_289 = vector.shape_cast %get3A_288 : vector<1x16xf32> to vector<16xf32>
      %add3A_290 = arith.addf %get3A_285, %get3A_289 : vector<16xf32>
      %swap3A_291 = arith.index_cast %scan3A_281 : i32 to index
      %swap3A_292 = arith.constant 0 : index
      %swap3A_293 = tpu.vector_load %arg13[%swap3A_291, %swap3A_292] {strides = array<i32>} : memref<64x32xf32, #tpu.memory_space<vmem>>, vector<1x16xf32>,
      %swap3A_294 = vector.shape_cast %swap3A_293 : vector<1x16xf32> to vector<16xf32>
      %swap3A_295 = vector.shape_cast %add3A_290 : vector<16xf32> to vector<1x16xf32>
      tpu.vector_store %arg13[%swap3A_291, %swap3A_292], %swap3A_295 {strides = array<i32>} : memref<64x32xf32, #tpu.memory_space<vmem>>, vector<1x16xf32>,
      %get3A_296 = arith.index_cast %scan3A_281 : i32 to index
      %get3A_297 = arith.constant 16 : index
      %get3A_298 = tpu.vector_load %arg9[%get3A_296, %get3A_297] {strides = array<i32>} : memref<64x128xf32, #tpu.memory_space<vmem>>, vector<1x16xf32>,
      %get3A_299 = vector.shape_cast %get3A_298 : vector<1x16xf32> to vector<16xf32>
      %get3A_300 = arith.index_cast %scan3A_281 : i32 to index
      %get3A_301 = arith.constant 48 : index
      %get3A_302 = tpu.vector_load %arg11[%get3A_300, %get3A_301] {strides = array<i32>} : memref<64x128xf32, #tpu.memory_space<vmem>>, vector<1x16xf32>,
      %get3A_303 = vector.shape_cast %get3A_302 : vector<1x16xf32> to vector<16xf32>
      %add3A_304 = arith.addf %get3A_299, %get3A_303 : vector<16xf32>
      %swap3A_305 = arith.index_cast %scan3A_281 : i32 to index
      %swap3A_306 = arith.constant 16 : index
      %swap3A_307 = tpu.vector_load %arg13[%swap3A_305, %swap3A_306] {strides = array<i32>} : memref<64x32xf32, #tpu.memory_space<vmem>>, vector<1x16xf32>,
      %swap3A_308 = vector.shape_cast %swap3A_307 : vector<1x16xf32> to vector<16xf32>
      %swap3A_309 = vector.shape_cast %add3A_304 : vector<16xf32> to vector<1x16xf32>
      tpu.vector_store %arg13[%swap3A_305, %swap3A_306], %swap3A_309 {strides = array<i32>} : memref<64x32xf32, #tpu.memory_space<vmem>>, vector<1x16xf32>,
    }
    %scan3A_87 = arith.constant 64 : i32
    %add3A_88 = arith.constant 1 : i32
    %add3A_89 = arith.addi %mul3A_2, %add3A_88 : i32
    %mul3A_90 = arith.constant 64 : i32
    %mul3A_91 = arith.muli %add3A_89, %mul3A_90 : i32
    %dma_start3A_92 = arith.constant 0 : i32
    %dma_start3A_93 = tpu.memref_slice %arg5[%mul3A_91, %dma_start3A_92] : memref<425984x32xf32, #tpu.memory_space<hbm>> -> memref<64x32xf32, #tpu.memory_space<hbm>>
    %dma_start3A_94 = arith.constant 0 : i32
    %dma_start3A_95 = tpu.memref_slice %arg5[%mul3A_91, %dma_start3A_94] : memref<425984x32xf32, #tpu.memory_space<hbm>> -> memref<64x32xf32, #tpu.memory_space<hbm>>
    tpu.enqueue_dma source(%arg13 : memref<64x32xf32, #tpu.memory_space<vmem>>) target(%dma_start3A_95 : memref<64x32xf32, #tpu.memory_space<hbm>>) target_semaphore(%arg17 : memref<!tpu.dma_semaphore, #tpu.memory_space<semaphore_mem>>)
    %dma_start3A_96 = arith.constant 3 : i32
    %dma_start3A_97 = arith.constant 0 : i32
    %dma_start3A_98 = tpu.memref_slice %arg6[%dma_start3A_96, %dma_start3A_97] : memref<208x64xi32, #tpu.memory_space<vmem>> -> memref<1x64xi32, #tpu.memory_space<vmem>>
    %dma_start3A_99 = tpu.memref_squeeze %dma_start3A_98 : memref<1x64xi32, #tpu.memory_space<vmem>> -> memref<64xi32, #tpu.memory_space<vmem>>
    %dma_start3A_100 = arith.constant 0 : i32
    %dma_start3A_101 = arith.constant 0 : i32
    %dma_start3A_102 = tpu.memref_slice %arg2[%dma_start3A_100, %dma_start3A_101] : memref<1000000x128xf32, #tpu.memory_space<hbm>> -> memref<1000000x128xf32, #tpu.memory_space<hbm>>
    tpu.enqueue_indirect_dma source(%dma_start3A_102 : memref<1000000x128xf32, #tpu.memory_space<hbm>>) target(%arg9 : memref<64x128xf32, #tpu.memory_space<vmem>>) offsets(%dma_start3A_99 : memref<64xi32, #tpu.memory_space<vmem>>) semaphore(%arg15 : memref<!tpu.dma_semaphore, #tpu.memory_space<semaphore_mem>>)
    %dma_start3A_103 = arith.constant 3 : i32
    %dma_start3A_104 = arith.constant 0 : i32
    %dma_start3A_105 = tpu.memref_slice %arg7[%dma_start3A_103, %dma_start3A_104] : memref<208x64xi32, #tpu.memory_space<vmem>> -> memref<1x64xi32, #tpu.memory_space<vmem>>
    %dma_start3A_106 = tpu.memref_squeeze %dma_start3A_105 : memref<1x64xi32, #tpu.memory_space<vmem>> -> memref<64xi32, #tpu.memory_space<vmem>>
    %dma_start3A_107 = arith.constant 0 : i32
    %dma_start3A_108 = arith.constant 0 : i32
    %dma_start3A_109 = tpu.memref_slice %arg2[%dma_start3A_107, %dma_start3A_108] : memref<1000000x128xf32, #tpu.memory_space<hbm>> -> memref<1000000x128xf32, #tpu.memory_space<hbm>>
    tpu.enqueue_indirect_dma source(%dma_start3A_109 : memref<1000000x128xf32, #tpu.memory_space<hbm>>) target(%arg11 : memref<64x128xf32, #tpu.memory_space<vmem>>) offsets(%dma_start3A_106 : memref<64xi32, #tpu.memory_space<vmem>>) semaphore(%arg15 : memref<!tpu.dma_semaphore, #tpu.memory_space<semaphore_mem>>)
    %scan3A_110 = arith.constant 1 : i32
    %scan3A_111 = arith.constant 102 : i32
    %scan3A_112 = arith.addi %scan3A_110, %scan3A_111 : i32
    %scan3A_113 = arith.constant 1 : i32
    scf.for %scan3A_193 = %scan3A_110 to %scan3A_112 step %scan3A_113  : i32 {
      %mul3A_194 = arith.constant 2 : i32
      %mul3A_195 = arith.muli %scan3A_193, %mul3A_194 : i32
      %add3A_196 = arith.constant 0 : i32
      %add3A_197 = arith.addi %mul3A_195, %add3A_196 : i32
      %dma_wait3A_198 = arith.constant 0 : i32
      %dma_wait3A_199 = tpu.memref_slice %arg6[%add3A_197, %dma_wait3A_198] : memref<208x64xi32, #tpu.memory_space<vmem>> -> memref<1x64xi32, #tpu.memory_space<vmem>>
      %dma_wait3A_200 = tpu.memref_squeeze %dma_wait3A_199 : memref<1x64xi32, #tpu.memory_space<vmem>> -> memref<64xi32, #tpu.memory_space<vmem>>
      %dma_wait3A_201 = arith.constant 0 : i32
      %dma_wait3A_202 = arith.constant 0 : i32
      %dma_wait3A_203 = tpu.memref_slice %arg2[%dma_wait3A_201, %dma_wait3A_202] : memref<1000000x128xf32, #tpu.memory_space<hbm>> -> memref<1000000x128xf32, #tpu.memory_space<hbm>>
      tpu.wait_indirect_dma semaphore(%arg14 : memref<!tpu.dma_semaphore, #tpu.memory_space<semaphore_mem>>) src(%dma_wait3A_203 : memref<1000000x128xf32, #tpu.memory_space<hbm>>) dst(%arg8 : memref<64x128xf32, #tpu.memory_space<vmem>>)
      %dma_wait3A_204 = arith.constant 0 : i32
      %dma_wait3A_205 = tpu.memref_slice %arg7[%add3A_197, %dma_wait3A_204] : memref<208x64xi32, #tpu.memory_space<vmem>> -> memref<1x64xi32, #tpu.memory_space<vmem>>
      %dma_wait3A_206 = tpu.memref_squeeze %dma_wait3A_205 : memref<1x64xi32, #tpu.memory_space<vmem>> -> memref<64xi32, #tpu.memory_space<vmem>>
      %dma_wait3A_207 = arith.constant 0 : i32
      %dma_wait3A_208 = arith.constant 0 : i32
      %dma_wait3A_209 = tpu.memref_slice %arg2[%dma_wait3A_207, %dma_wait3A_208] : memref<1000000x128xf32, #tpu.memory_space<hbm>> -> memref<1000000x128xf32, #tpu.memory_space<hbm>>
      tpu.wait_indirect_dma semaphore(%arg14 : memref<!tpu.dma_semaphore, #tpu.memory_space<semaphore_mem>>) src(%dma_wait3A_209 : memref<1000000x128xf32, #tpu.memory_space<hbm>>) dst(%arg10 : memref<64x128xf32, #tpu.memory_space<vmem>>)
      %dma_wait3A_210 = arith.constant 0 : i32
      %dma_wait3A_211 = arith.constant 0 : i32
      %dma_wait3A_212 = tpu.memref_slice %arg5[%dma_wait3A_210, %dma_wait3A_211] : memref<425984x32xf32, #tpu.memory_space<hbm>> -> memref<64x32xf32, #tpu.memory_space<hbm>>
      %dma_wait3A_213 = arith.constant 0 : i32
      %dma_wait3A_214 = arith.constant 0 : i32
      %dma_wait3A_215 = tpu.memref_slice %arg5[%dma_wait3A_213, %dma_wait3A_214] : memref<425984x32xf32, #tpu.memory_space<hbm>> -> memref<64x32xf32, #tpu.memory_space<hbm>>
      tpu.wait_dma2 semaphore(%arg16 : memref<!tpu.dma_semaphore, #tpu.memory_space<semaphore_mem>>) src(%arg12 : memref<64x32xf32, #tpu.memory_space<vmem>>) dst(%dma_wait3A_215 : memref<64x32xf32, #tpu.memory_space<hbm>>)
      %scan3A_216 = arith.constant 0 : i32
      %scan3A_217 = arith.constant 64 : i32
      %scan3A_218 = arith.addi %scan3A_216, %scan3A_217 : i32
      %scan3A_219 = arith.constant 4 : i32
      scf.for %scan3A_290 = %scan3A_216 to %scan3A_218 step %scan3A_219  : i32 {
        %get3A = arith.index_cast %scan3A_290 : i32 to index
        %get3A_291 = arith.constant 0 : index
        %get3A_292 = tpu.vector_load %arg8[%get3A, %get3A_291] {strides = array<i32>} : memref<64x128xf32, #tpu.memory_space<vmem>>, vector<1x16xf32>,
        %get3A_293 = vector.shape_cast %get3A_292 : vector<1x16xf32> to vector<16xf32>
        %get3A_294 = arith.index_cast %scan3A_290 : i32 to index
        %get3A_295 = arith.constant 32 : index
        %get3A_296 = tpu.vector_load %arg10[%get3A_294, %get3A_295] {strides = array<i32>} : memref<64x128xf32, #tpu.memory_space<vmem>>, vector<1x16xf32>,
        %get3A_297 = vector.shape_cast %get3A_296 : vector<1x16xf32> to vector<16xf32>
        %add3A_298 = arith.addf %get3A_293, %get3A_297 : vector<16xf32>
        %swap3A = arith.index_cast %scan3A_290 : i32 to index
        %swap3A_299 = arith.constant 0 : index
        %swap3A_300 = tpu.vector_load %arg12[%swap3A, %swap3A_299] {strides = array<i32>} : memref<64x32xf32, #tpu.memory_space<vmem>>, vector<1x16xf32>,
        %swap3A_301 = vector.shape_cast %swap3A_300 : vector<1x16xf32> to vector<16xf32>
        %swap3A_302 = vector.shape_cast %add3A_298 : vector<16xf32> to vector<1x16xf32>
        tpu.vector_store %arg12[%swap3A, %swap3A_299], %swap3A_302 {strides = array<i32>} : memref<64x32xf32, #tpu.memory_space<vmem>>, vector<1x16xf32>,
        %get3A_303 = arith.index_cast %scan3A_290 : i32 to index
        %get3A_304 = arith.constant 16 : index
        %get3A_305 = tpu.vector_load %arg8[%get3A_303, %get3A_304] {strides = array<i32>} : memref<64x128xf32, #tpu.memory_space<vmem>>, vector<1x16xf32>,
        %get3A_306 = vector.shape_cast %get3A_305 : vector<1x16xf32> to vector<16xf32>
        %get3A_307 = arith.index_cast %scan3A_290 : i32 to index
        %get3A_308 = arith.constant 48 : index
        %get3A_309 = tpu.vector_load %arg10[%get3A_307, %get3A_308] {strides = array<i32>} : memref<64x128xf32, #tpu.memory_space<vmem>>, vector<1x16xf32>,
        %get3A_310 = vector.shape_cast %get3A_309 : vector<1x16xf32> to vector<16xf32>
        %add3A_311 = arith.addf %get3A_306, %get3A_310 : vector<16xf32>
        %swap3A_312 = arith.index_cast %scan3A_290 : i32 to index
        %swap3A_313 = arith.constant 16 : index
        %swap3A_314 = tpu.vector_load %arg12[%swap3A_312, %swap3A_313] {strides = array<i32>} : memref<64x32xf32, #tpu.memory_space<vmem>>, vector<1x16xf32>,
        %swap3A_315 = vector.shape_cast %swap3A_314 : vector<1x16xf32> to vector<16xf32>
        %swap3A_316 = vector.shape_cast %add3A_311 : vector<16xf32> to vector<1x16xf32>
        tpu.vector_store %arg12[%swap3A_312, %swap3A_313], %swap3A_316 {strides = array<i32>} : memref<64x32xf32, #tpu.memory_space<vmem>>, vector<1x16xf32>,
        %scan3A_317 = arith.constant 1 : i32
        %scan3A_318 = arith.addi %scan3A_290, %scan3A_317 : i32
        %get3A_319 = arith.index_cast %scan3A_318 : i32 to index
        %get3A_320 = arith.constant 0 : index
        %get3A_321 = tpu.vector_load %arg8[%get3A_319, %get3A_320] {strides = array<i32>} : memref<64x128xf32, #tpu.memory_space<vmem>>, vector<1x16xf32>,
        %get3A_322 = vector.shape_cast %get3A_321 : vector<1x16xf32> to vector<16xf32>
        %get3A_323 = arith.index_cast %scan3A_318 : i32 to index
        %get3A_324 = arith.constant 32 : index
        %get3A_325 = tpu.vector_load %arg10[%get3A_323, %get3A_324] {strides = array<i32>} : memref<64x128xf32, #tpu.memory_space<vmem>>, vector<1x16xf32>,
        %get3A_326 = vector.shape_cast %get3A_325 : vector<1x16xf32> to vector<16xf32>
        %add3A_327 = arith.addf %get3A_322, %get3A_326 : vector<16xf32>
        %swap3A_328 = arith.index_cast %scan3A_318 : i32 to index
        %swap3A_329 = arith.constant 0 : index
        %swap3A_330 = tpu.vector_load %arg12[%swap3A_328, %swap3A_329] {strides = array<i32>} : memref<64x32xf32, #tpu.memory_space<vmem>>, vector<1x16xf32>,
        %swap3A_331 = vector.shape_cast %swap3A_330 : vector<1x16xf32> to vector<16xf32>
        %swap3A_332 = vector.shape_cast %add3A_327 : vector<16xf32> to vector<1x16xf32>
        tpu.vector_store %arg12[%swap3A_328, %swap3A_329], %swap3A_332 {strides = array<i32>} : memref<64x32xf32, #tpu.memory_space<vmem>>, vector<1x16xf32>,
        %get3A_333 = arith.index_cast %scan3A_318 : i32 to index
        %get3A_334 = arith.constant 16 : index
        %get3A_335 = tpu.vector_load %arg8[%get3A_333, %get3A_334] {strides = array<i32>} : memref<64x128xf32, #tpu.memory_space<vmem>>, vector<1x16xf32>,
        %get3A_336 = vector.shape_cast %get3A_335 : vector<1x16xf32> to vector<16xf32>
        %get3A_337 = arith.index_cast %scan3A_318 : i32 to index
        %get3A_338 = arith.constant 48 : index
        %get3A_339 = tpu.vector_load %arg10[%get3A_337, %get3A_338] {strides = array<i32>} : memref<64x128xf32, #tpu.memory_space<vmem>>, vector<1x16xf32>,
        %get3A_340 = vector.shape_cast %get3A_339 : vector<1x16xf32> to vector<16xf32>
        %add3A_341 = arith.addf %get3A_336, %get3A_340 : vector<16xf32>
        %swap3A_342 = arith.index_cast %scan3A_318 : i32 to index
        %swap3A_343 = arith.constant 16 : index
        %swap3A_344 = tpu.vector_load %arg12[%swap3A_342, %swap3A_343] {strides = array<i32>} : memref<64x32xf32, #tpu.memory_space<vmem>>, vector<1x16xf32>,
        %swap3A_345 = vector.shape_cast %swap3A_344 : vector<1x16xf32> to vector<16xf32>
        %swap3A_346 = vector.shape_cast %add3A_341 : vector<16xf32> to vector<1x16xf32>
        tpu.vector_store %arg12[%swap3A_342, %swap3A_343], %swap3A_346 {strides = array<i32>} : memref<64x32xf32, #tpu.memory_space<vmem>>, vector<1x16xf32>,
        %scan3A_347 = arith.constant 2 : i32
        %scan3A_348 = arith.addi %scan3A_290, %scan3A_347 : i32
        %get3A_349 = arith.index_cast %scan3A_348 : i32 to index
        %get3A_350 = arith.constant 0 : index
        %get3A_351 = tpu.vector_load %arg8[%get3A_349, %get3A_350] {strides = array<i32>} : memref<64x128xf32, #tpu.memory_space<vmem>>, vector<1x16xf32>,
        %get3A_352 = vector.shape_cast %get3A_351 : vector<1x16xf32> to vector<16xf32>
        %get3A_353 = arith.index_cast %scan3A_348 : i32 to index
        %get3A_354 = arith.constant 32 : index
        %get3A_355 = tpu.vector_load %arg10[%get3A_353, %get3A_354] {strides = array<i32>} : memref<64x128xf32, #tpu.memory_space<vmem>>, vector<1x16xf32>,
        %get3A_356 = vector.shape_cast %get3A_355 : vector<1x16xf32> to vector<16xf32>
        %add3A_357 = arith.addf %get3A_352, %get3A_356 : vector<16xf32>
        %swap3A_358 = arith.index_cast %scan3A_348 : i32 to index
        %swap3A_359 = arith.constant 0 : index
        %swap3A_360 = tpu.vector_load %arg12[%swap3A_358, %swap3A_359] {strides = array<i32>} : memref<64x32xf32, #tpu.memory_space<vmem>>, vector<1x16xf32>,
        %swap3A_361 = vector.shape_cast %swap3A_360 : vector<1x16xf32> to vector<16xf32>
        %swap3A_362 = vector.shape_cast %add3A_357 : vector<16xf32> to vector<1x16xf32>
        tpu.vector_store %arg12[%swap3A_358, %swap3A_359], %swap3A_362 {strides = array<i32>} : memref<64x32xf32, #tpu.memory_space<vmem>>, vector<1x16xf32>,
        %get3A_363 = arith.index_cast %scan3A_348 : i32 to index
        %get3A_364 = arith.constant 16 : index
        %get3A_365 = tpu.vector_load %arg8[%get3A_363, %get3A_364] {strides = array<i32>} : memref<64x128xf32, #tpu.memory_space<vmem>>, vector<1x16xf32>,
        %get3A_366 = vector.shape_cast %get3A_365 : vector<1x16xf32> to vector<16xf32>
        %get3A_367 = arith.index_cast %scan3A_348 : i32 to index
        %get3A_368 = arith.constant 48 : index
        %get3A_369 = tpu.vector_load %arg10[%get3A_367, %get3A_368] {strides = array<i32>} : memref<64x128xf32, #tpu.memory_space<vmem>>, vector<1x16xf32>,
        %get3A_370 = vector.shape_cast %get3A_369 : vector<1x16xf32> to vector<16xf32>
        %add3A_371 = arith.addf %get3A_366, %get3A_370 : vector<16xf32>
        %swap3A_372 = arith.index_cast %scan3A_348 : i32 to index
        %swap3A_373 = arith.constant 16 : index
        %swap3A_374 = tpu.vector_load %arg12[%swap3A_372, %swap3A_373] {strides = array<i32>} : memref<64x32xf32, #tpu.memory_space<vmem>>, vector<1x16xf32>,
        %swap3A_375 = vector.shape_cast %swap3A_374 : vector<1x16xf32> to vector<16xf32>
        %swap3A_376 = vector.shape_cast %add3A_371 : vector<16xf32> to vector<1x16xf32>
        tpu.vector_store %arg12[%swap3A_372, %swap3A_373], %swap3A_376 {strides = array<i32>} : memref<64x32xf32, #tpu.memory_space<vmem>>, vector<1x16xf32>,
        %scan3A_377 = arith.constant 3 : i32
        %scan3A_378 = arith.addi %scan3A_290, %scan3A_377 : i32
        %get3A_379 = arith.index_cast %scan3A_378 : i32 to index
        %get3A_380 = arith.constant 0 : index
        %get3A_381 = tpu.vector_load %arg8[%get3A_379, %get3A_380] {strides = array<i32>} : memref<64x128xf32, #tpu.memory_space<vmem>>, vector<1x16xf32>,
        %get3A_382 = vector.shape_cast %get3A_381 : vector<1x16xf32> to vector<16xf32>
        %get3A_383 = arith.index_cast %scan3A_378 : i32 to index
        %get3A_384 = arith.constant 32 : index
        %get3A_385 = tpu.vector_load %arg10[%get3A_383, %get3A_384] {strides = array<i32>} : memref<64x128xf32, #tpu.memory_space<vmem>>, vector<1x16xf32>,
        %get3A_386 = vector.shape_cast %get3A_385 : vector<1x16xf32> to vector<16xf32>
        %add3A_387 = arith.addf %get3A_382, %get3A_386 : vector<16xf32>
        %swap3A_388 = arith.index_cast %scan3A_378 : i32 to index
        %swap3A_389 = arith.constant 0 : index
        %swap3A_390 = tpu.vector_load %arg12[%swap3A_388, %swap3A_389] {strides = array<i32>} : memref<64x32xf32, #tpu.memory_space<vmem>>, vector<1x16xf32>,
        %swap3A_391 = vector.shape_cast %swap3A_390 : vector<1x16xf32> to vector<16xf32>
        %swap3A_392 = vector.shape_cast %add3A_387 : vector<16xf32> to vector<1x16xf32>
        tpu.vector_store %arg12[%swap3A_388, %swap3A_389], %swap3A_392 {strides = array<i32>} : memref<64x32xf32, #tpu.memory_space<vmem>>, vector<1x16xf32>,
        %get3A_393 = arith.index_cast %scan3A_378 : i32 to index
        %get3A_394 = arith.constant 16 : index
        %get3A_395 = tpu.vector_load %arg8[%get3A_393, %get3A_394] {strides = array<i32>} : memref<64x128xf32, #tpu.memory_space<vmem>>, vector<1x16xf32>,
        %get3A_396 = vector.shape_cast %get3A_395 : vector<1x16xf32> to vector<16xf32>
        %get3A_397 = arith.index_cast %scan3A_378 : i32 to index
        %get3A_398 = arith.constant 48 : index
        %get3A_399 = tpu.vector_load %arg10[%get3A_397, %get3A_398] {strides = array<i32>} : memref<64x128xf32, #tpu.memory_space<vmem>>, vector<1x16xf32>,
        %get3A_400 = vector.shape_cast %get3A_399 : vector<1x16xf32> to vector<16xf32>
        %add3A_401 = arith.addf %get3A_396, %get3A_400 : vector<16xf32>
        %swap3A_402 = arith.index_cast %scan3A_378 : i32 to index
        %swap3A_403 = arith.constant 16 : index
        %swap3A_404 = tpu.vector_load %arg12[%swap3A_402, %swap3A_403] {strides = array<i32>} : memref<64x32xf32, #tpu.memory_space<vmem>>, vector<1x16xf32>,
        %swap3A_405 = vector.shape_cast %swap3A_404 : vector<1x16xf32> to vector<16xf32>
        %swap3A_406 = vector.shape_cast %add3A_401 : vector<16xf32> to vector<1x16xf32>
        tpu.vector_store %arg12[%swap3A_402, %swap3A_403], %swap3A_406 {strides = array<i32>} : memref<64x32xf32, #tpu.memory_space<vmem>>, vector<1x16xf32>,
      }
      %scan3A_220 = arith.constant 64 : i32
      %add3A_221 = arith.addi %mul3A_2, %add3A_197 : i32
      %mul3A_222 = arith.constant 64 : i32
      %mul3A_223 = arith.muli %add3A_221, %mul3A_222 : i32
      %dma_start3A_224 = arith.constant 0 : i32
      %dma_start3A_225 = tpu.memref_slice %arg5[%mul3A_223, %dma_start3A_224] : memref<425984x32xf32, #tpu.memory_space<hbm>> -> memref<64x32xf32, #tpu.memory_space<hbm>>
      %dma_start3A_226 = arith.constant 0 : i32
      %dma_start3A_227 = tpu.memref_slice %arg5[%mul3A_223, %dma_start3A_226] : memref<425984x32xf32, #tpu.memory_space<hbm>> -> memref<64x32xf32, #tpu.memory_space<hbm>>
      tpu.enqueue_dma source(%arg12 : memref<64x32xf32, #tpu.memory_space<vmem>>) target(%dma_start3A_227 : memref<64x32xf32, #tpu.memory_space<hbm>>) target_semaphore(%arg16 : memref<!tpu.dma_semaphore, #tpu.memory_space<semaphore_mem>>)
      %add3A_228 = arith.constant 2 : i32
      %add3A_229 = arith.addi %add3A_197, %add3A_228 : i32
      %dma_start3A_230 = arith.constant 0 : i32
      %dma_start3A_231 = tpu.memref_slice %arg6[%add3A_229, %dma_start3A_230] : memref<208x64xi32, #tpu.memory_space<vmem>> -> memref<1x64xi32, #tpu.memory_space<vmem>>
      %dma_start3A_232 = tpu.memref_squeeze %dma_start3A_231 : memref<1x64xi32, #tpu.memory_space<vmem>> -> memref<64xi32, #tpu.memory_space<vmem>>
      %dma_start3A_233 = arith.constant 0 : i32
      %dma_start3A_234 = arith.constant 0 : i32
      %dma_start3A_235 = tpu.memref_slice %arg2[%dma_start3A_233, %dma_start3A_234] : memref<1000000x128xf32, #tpu.memory_space<hbm>> -> memref<1000000x128xf32, #tpu.memory_space<hbm>>
      tpu.enqueue_indirect_dma source(%dma_start3A_235 : memref<1000000x128xf32, #tpu.memory_space<hbm>>) target(%arg8 : memref<64x128xf32, #tpu.memory_space<vmem>>) offsets(%dma_start3A_232 : memref<64xi32, #tpu.memory_space<vmem>>) semaphore(%arg14 : memref<!tpu.dma_semaphore, #tpu.memory_space<semaphore_mem>>)
      %dma_start3A_236 = arith.constant 0 : i32
      %dma_start3A_237 = tpu.memref_slice %arg7[%add3A_229, %dma_start3A_236] : memref<208x64xi32, #tpu.memory_space<vmem>> -> memref<1x64xi32, #tpu.memory_space<vmem>>
      %dma_start3A_238 = tpu.memref_squeeze %dma_start3A_237 : memref<1x64xi32, #tpu.memory_space<vmem>> -> memref<64xi32, #tpu.memory_space<vmem>>
      %dma_start3A_239 = arith.constant 0 : i32
      %dma_start3A_240 = arith.constant 0 : i32
      %dma_start3A_241 = tpu.memref_slice %arg2[%dma_start3A_239, %dma_start3A_240] : memref<1000000x128xf32, #tpu.memory_space<hbm>> -> memref<1000000x128xf32, #tpu.memory_space<hbm>>
      tpu.enqueue_indirect_dma source(%dma_start3A_241 : memref<1000000x128xf32, #tpu.memory_space<hbm>>) target(%arg10 : memref<64x128xf32, #tpu.memory_space<vmem>>) offsets(%dma_start3A_238 : memref<64xi32, #tpu.memory_space<vmem>>) semaphore(%arg14 : memref<!tpu.dma_semaphore, #tpu.memory_space<semaphore_mem>>)
      %mul3A_242 = arith.constant 2 : i32
      %mul3A_243 = arith.muli %scan3A_193, %mul3A_242 : i32
      %add3A_244 = arith.constant 1 : i32
      %add3A_245 = arith.addi %mul3A_243, %add3A_244 : i32
      %dma_wait3A_246 = arith.constant 0 : i32
      %dma_wait3A_247 = tpu.memref_slice %arg6[%add3A_245, %dma_wait3A_246] : memref<208x64xi32, #tpu.memory_space<vmem>> -> memref<1x64xi32, #tpu.memory_space<vmem>>
      %dma_wait3A_248 = tpu.memref_squeeze %dma_wait3A_247 : memref<1x64xi32, #tpu.memory_space<vmem>> -> memref<64xi32, #tpu.memory_space<vmem>>
      %dma_wait3A_249 = arith.constant 0 : i32
      %dma_wait3A_250 = arith.constant 0 : i32
      %dma_wait3A_251 = tpu.memref_slice %arg2[%dma_wait3A_249, %dma_wait3A_250] : memref<1000000x128xf32, #tpu.memory_space<hbm>> -> memref<1000000x128xf32, #tpu.memory_space<hbm>>
      tpu.wait_indirect_dma semaphore(%arg15 : memref<!tpu.dma_semaphore, #tpu.memory_space<semaphore_mem>>) src(%dma_wait3A_251 : memref<1000000x128xf32, #tpu.memory_space<hbm>>) dst(%arg9 : memref<64x128xf32, #tpu.memory_space<vmem>>)
      %dma_wait3A_252 = arith.constant 0 : i32
      %dma_wait3A_253 = tpu.memref_slice %arg7[%add3A_245, %dma_wait3A_252] : memref<208x64xi32, #tpu.memory_space<vmem>> -> memref<1x64xi32, #tpu.memory_space<vmem>>
      %dma_wait3A_254 = tpu.memref_squeeze %dma_wait3A_253 : memref<1x64xi32, #tpu.memory_space<vmem>> -> memref<64xi32, #tpu.memory_space<vmem>>
      %dma_wait3A_255 = arith.constant 0 : i32
      %dma_wait3A_256 = arith.constant 0 : i32
      %dma_wait3A_257 = tpu.memref_slice %arg2[%dma_wait3A_255, %dma_wait3A_256] : memref<1000000x128xf32, #tpu.memory_space<hbm>> -> memref<1000000x128xf32, #tpu.memory_space<hbm>>
      tpu.wait_indirect_dma semaphore(%arg15 : memref<!tpu.dma_semaphore, #tpu.memory_space<semaphore_mem>>) src(%dma_wait3A_257 : memref<1000000x128xf32, #tpu.memory_space<hbm>>) dst(%arg11 : memref<64x128xf32, #tpu.memory_space<vmem>>)
      %dma_wait3A_258 = arith.constant 0 : i32
      %dma_wait3A_259 = arith.constant 0 : i32
      %dma_wait3A_260 = tpu.memref_slice %arg5[%dma_wait3A_258, %dma_wait3A_259] : memref<425984x32xf32, #tpu.memory_space<hbm>> -> memref<64x32xf32, #tpu.memory_space<hbm>>
      %dma_wait3A_261 = arith.constant 0 : i32
      %dma_wait3A_262 = arith.constant 0 : i32
      %dma_wait3A_263 = tpu.memref_slice %arg5[%dma_wait3A_261, %dma_wait3A_262] : memref<425984x32xf32, #tpu.memory_space<hbm>> -> memref<64x32xf32, #tpu.memory_space<hbm>>
      tpu.wait_dma2 semaphore(%arg17 : memref<!tpu.dma_semaphore, #tpu.memory_space<semaphore_mem>>) src(%arg13 : memref<64x32xf32, #tpu.memory_space<vmem>>) dst(%dma_wait3A_263 : memref<64x32xf32, #tpu.memory_space<hbm>>)
      %scan3A_264 = arith.constant 0 : i32
      %scan3A_265 = arith.constant 64 : i32
      %scan3A_266 = arith.addi %scan3A_264, %scan3A_265 : i32
      %scan3A_267 = arith.constant 4 : i32
      scf.for %scan3A_290 = %scan3A_264 to %scan3A_266 step %scan3A_267  : i32 {
        %get3A = arith.index_cast %scan3A_290 : i32 to index
        %get3A_291 = arith.constant 0 : index
        %get3A_292 = tpu.vector_load %arg9[%get3A, %get3A_291] {strides = array<i32>} : memref<64x128xf32, #tpu.memory_space<vmem>>, vector<1x16xf32>,
        %get3A_293 = vector.shape_cast %get3A_292 : vector<1x16xf32> to vector<16xf32>
        %get3A_294 = arith.index_cast %scan3A_290 : i32 to index
        %get3A_295 = arith.constant 32 : index
        %get3A_296 = tpu.vector_load %arg11[%get3A_294, %get3A_295] {strides = array<i32>} : memref<64x128xf32, #tpu.memory_space<vmem>>, vector<1x16xf32>,
        %get3A_297 = vector.shape_cast %get3A_296 : vector<1x16xf32> to vector<16xf32>
        %add3A_298 = arith.addf %get3A_293, %get3A_297 : vector<16xf32>
        %swap3A = arith.index_cast %scan3A_290 : i32 to index
        %swap3A_299 = arith.constant 0 : index
        %swap3A_300 = tpu.vector_load %arg13[%swap3A, %swap3A_299] {strides = array<i32>} : memref<64x32xf32, #tpu.memory_space<vmem>>, vector<1x16xf32>,
        %swap3A_301 = vector.shape_cast %swap3A_300 : vector<1x16xf32> to vector<16xf32>
        %swap3A_302 = vector.shape_cast %add3A_298 : vector<16xf32> to vector<1x16xf32>
        tpu.vector_store %arg13[%swap3A, %swap3A_299], %swap3A_302 {strides = array<i32>} : memref<64x32xf32, #tpu.memory_space<vmem>>, vector<1x16xf32>,
        %get3A_303 = arith.index_cast %scan3A_290 : i32 to index
        %get3A_304 = arith.constant 16 : index
        %get3A_305 = tpu.vector_load %arg9[%get3A_303, %get3A_304] {strides = array<i32>} : memref<64x128xf32, #tpu.memory_space<vmem>>, vector<1x16xf32>,
        %get3A_306 = vector.shape_cast %get3A_305 : vector<1x16xf32> to vector<16xf32>
        %get3A_307 = arith.index_cast %scan3A_290 : i32 to index
        %get3A_308 = arith.constant 48 : index
        %get3A_309 = tpu.vector_load %arg11[%get3A_307, %get3A_308] {strides = array<i32>} : memref<64x128xf32, #tpu.memory_space<vmem>>, vector<1x16xf32>,
        %get3A_310 = vector.shape_cast %get3A_309 : vector<1x16xf32> to vector<16xf32>
        %add3A_311 = arith.addf %get3A_306, %get3A_310 : vector<16xf32>
        %swap3A_312 = arith.index_cast %scan3A_290 : i32 to index
        %swap3A_313 = arith.constant 16 : index
        %swap3A_314 = tpu.vector_load %arg13[%swap3A_312, %swap3A_313] {strides = array<i32>} : memref<64x32xf32, #tpu.memory_space<vmem>>, vector<1x16xf32>,
        %swap3A_315 = vector.shape_cast %swap3A_314 : vector<1x16xf32> to vector<16xf32>
        %swap3A_316 = vector.shape_cast %add3A_311 : vector<16xf32> to vector<1x16xf32>
        tpu.vector_store %arg13[%swap3A_312, %swap3A_313], %swap3A_316 {strides = array<i32>} : memref<64x32xf32, #tpu.memory_space<vmem>>, vector<1x16xf32>,
        %scan3A_317 = arith.constant 1 : i32
        %scan3A_318 = arith.addi %scan3A_290, %scan3A_317 : i32
        %get3A_319 = arith.index_cast %scan3A_318 : i32 to index
        %get3A_320 = arith.constant 0 : index
        %get3A_321 = tpu.vector_load %arg9[%get3A_319, %get3A_320] {strides = array<i32>} : memref<64x128xf32, #tpu.memory_space<vmem>>, vector<1x16xf32>,
        %get3A_322 = vector.shape_cast %get3A_321 : vector<1x16xf32> to vector<16xf32>
        %get3A_323 = arith.index_cast %scan3A_318 : i32 to index
        %get3A_324 = arith.constant 32 : index
        %get3A_325 = tpu.vector_load %arg11[%get3A_323, %get3A_324] {strides = array<i32>} : memref<64x128xf32, #tpu.memory_space<vmem>>, vector<1x16xf32>,
        %get3A_326 = vector.shape_cast %get3A_325 : vector<1x16xf32> to vector<16xf32>
        %add3A_327 = arith.addf %get3A_322, %get3A_326 : vector<16xf32>
        %swap3A_328 = arith.index_cast %scan3A_318 : i32 to index
        %swap3A_329 = arith.constant 0 : index
        %swap3A_330 = tpu.vector_load %arg13[%swap3A_328, %swap3A_329] {strides = array<i32>} : memref<64x32xf32, #tpu.memory_space<vmem>>, vector<1x16xf32>,
        %swap3A_331 = vector.shape_cast %swap3A_330 : vector<1x16xf32> to vector<16xf32>
        %swap3A_332 = vector.shape_cast %add3A_327 : vector<16xf32> to vector<1x16xf32>
        tpu.vector_store %arg13[%swap3A_328, %swap3A_329], %swap3A_332 {strides = array<i32>} : memref<64x32xf32, #tpu.memory_space<vmem>>, vector<1x16xf32>,
        %get3A_333 = arith.index_cast %scan3A_318 : i32 to index
        %get3A_334 = arith.constant 16 : index
        %get3A_335 = tpu.vector_load %arg9[%get3A_333, %get3A_334] {strides = array<i32>} : memref<64x128xf32, #tpu.memory_space<vmem>>, vector<1x16xf32>,
        %get3A_336 = vector.shape_cast %get3A_335 : vector<1x16xf32> to vector<16xf32>
        %get3A_337 = arith.index_cast %scan3A_318 : i32 to index
        %get3A_338 = arith.constant 48 : index
        %get3A_339 = tpu.vector_load %arg11[%get3A_337, %get3A_338] {strides = array<i32>} : memref<64x128xf32, #tpu.memory_space<vmem>>, vector<1x16xf32>,
        %get3A_340 = vector.shape_cast %get3A_339 : vector<1x16xf32> to vector<16xf32>
        %add3A_341 = arith.addf %get3A_336, %get3A_340 : vector<16xf32>
        %swap3A_342 = arith.index_cast %scan3A_318 : i32 to index
        %swap3A_343 = arith.constant 16 : index
        %swap3A_344 = tpu.vector_load %arg13[%swap3A_342, %swap3A_343] {strides = array<i32>} : memref<64x32xf32, #tpu.memory_space<vmem>>, vector<1x16xf32>,
        %swap3A_345 = vector.shape_cast %swap3A_344 : vector<1x16xf32> to vector<16xf32>
        %swap3A_346 = vector.shape_cast %add3A_341 : vector<16xf32> to vector<1x16xf32>
        tpu.vector_store %arg13[%swap3A_342, %swap3A_343], %swap3A_346 {strides = array<i32>} : memref<64x32xf32, #tpu.memory_space<vmem>>, vector<1x16xf32>,
        %scan3A_347 = arith.constant 2 : i32
        %scan3A_348 = arith.addi %scan3A_290, %scan3A_347 : i32
        %get3A_349 = arith.index_cast %scan3A_348 : i32 to index
        %get3A_350 = arith.constant 0 : index
        %get3A_351 = tpu.vector_load %arg9[%get3A_349, %get3A_350] {strides = array<i32>} : memref<64x128xf32, #tpu.memory_space<vmem>>, vector<1x16xf32>,
        %get3A_352 = vector.shape_cast %get3A_351 : vector<1x16xf32> to vector<16xf32>
        %get3A_353 = arith.index_cast %scan3A_348 : i32 to index
        %get3A_354 = arith.constant 32 : index
        %get3A_355 = tpu.vector_load %arg11[%get3A_353, %get3A_354] {strides = array<i32>} : memref<64x128xf32, #tpu.memory_space<vmem>>, vector<1x16xf32>,
        %get3A_356 = vector.shape_cast %get3A_355 : vector<1x16xf32> to vector<16xf32>
        %add3A_357 = arith.addf %get3A_352, %get3A_356 : vector<16xf32>
        %swap3A_358 = arith.index_cast %scan3A_348 : i32 to index
        %swap3A_359 = arith.constant 0 : index
        %swap3A_360 = tpu.vector_load %arg13[%swap3A_358, %swap3A_359] {strides = array<i32>} : memref<64x32xf32, #tpu.memory_space<vmem>>, vector<1x16xf32>,
        %swap3A_361 = vector.shape_cast %swap3A_360 : vector<1x16xf32> to vector<16xf32>
        %swap3A_362 = vector.shape_cast %add3A_357 : vector<16xf32> to vector<1x16xf32>
        tpu.vector_store %arg13[%swap3A_358, %swap3A_359], %swap3A_362 {strides = array<i32>} : memref<64x32xf32, #tpu.memory_space<vmem>>, vector<1x16xf32>,
        %get3A_363 = arith.index_cast %scan3A_348 : i32 to index
        %get3A_364 = arith.constant 16 : index
        %get3A_365 = tpu.vector_load %arg9[%get3A_363, %get3A_364] {strides = array<i32>} : memref<64x128xf32, #tpu.memory_space<vmem>>, vector<1x16xf32>,
        %get3A_366 = vector.shape_cast %get3A_365 : vector<1x16xf32> to vector<16xf32>
        %get3A_367 = arith.index_cast %scan3A_348 : i32 to index
        %get3A_368 = arith.constant 48 : index
        %get3A_369 = tpu.vector_load %arg11[%get3A_367, %get3A_368] {strides = array<i32>} : memref<64x128xf32, #tpu.memory_space<vmem>>, vector<1x16xf32>,
        %get3A_370 = vector.shape_cast %get3A_369 : vector<1x16xf32> to vector<16xf32>
        %add3A_371 = arith.addf %get3A_366, %get3A_370 : vector<16xf32>
        %swap3A_372 = arith.index_cast %scan3A_348 : i32 to index
        %swap3A_373 = arith.constant 16 : index
        %swap3A_374 = tpu.vector_load %arg13[%swap3A_372, %swap3A_373] {strides = array<i32>} : memref<64x32xf32, #tpu.memory_space<vmem>>, vector<1x16xf32>,
        %swap3A_375 = vector.shape_cast %swap3A_374 : vector<1x16xf32> to vector<16xf32>
        %swap3A_376 = vector.shape_cast %add3A_371 : vector<16xf32> to vector<1x16xf32>
        tpu.vector_store %arg13[%swap3A_372, %swap3A_373], %swap3A_376 {strides = array<i32>} : memref<64x32xf32, #tpu.memory_space<vmem>>, vector<1x16xf32>,
        %scan3A_377 = arith.constant 3 : i32
        %scan3A_378 = arith.addi %scan3A_290, %scan3A_377 : i32
        %get3A_379 = arith.index_cast %scan3A_378 : i32 to index
        %get3A_380 = arith.constant 0 : index
        %get3A_381 = tpu.vector_load %arg9[%get3A_379, %get3A_380] {strides = array<i32>} : memref<64x128xf32, #tpu.memory_space<vmem>>, vector<1x16xf32>,
        %get3A_382 = vector.shape_cast %get3A_381 : vector<1x16xf32> to vector<16xf32>
        %get3A_383 = arith.index_cast %scan3A_378 : i32 to index
        %get3A_384 = arith.constant 32 : index
        %get3A_385 = tpu.vector_load %arg11[%get3A_383, %get3A_384] {strides = array<i32>} : memref<64x128xf32, #tpu.memory_space<vmem>>, vector<1x16xf32>,
        %get3A_386 = vector.shape_cast %get3A_385 : vector<1x16xf32> to vector<16xf32>
        %add3A_387 = arith.addf %get3A_382, %get3A_386 : vector<16xf32>
        %swap3A_388 = arith.index_cast %scan3A_378 : i32 to index
        %swap3A_389 = arith.constant 0 : index
        %swap3A_390 = tpu.vector_load %arg13[%swap3A_388, %swap3A_389] {strides = array<i32>} : memref<64x32xf32, #tpu.memory_space<vmem>>, vector<1x16xf32>,
        %swap3A_391 = vector.shape_cast %swap3A_390 : vector<1x16xf32> to vector<16xf32>
        %swap3A_392 = vector.shape_cast %add3A_387 : vector<16xf32> to vector<1x16xf32>
        tpu.vector_store %arg13[%swap3A_388, %swap3A_389], %swap3A_392 {strides = array<i32>} : memref<64x32xf32, #tpu.memory_space<vmem>>, vector<1x16xf32>,
        %get3A_393 = arith.index_cast %scan3A_378 : i32 to index
        %get3A_394 = arith.constant 16 : index
        %get3A_395 = tpu.vector_load %arg9[%get3A_393, %get3A_394] {strides = array<i32>} : memref<64x128xf32, #tpu.memory_space<vmem>>, vector<1x16xf32>,
        %get3A_396 = vector.shape_cast %get3A_395 : vector<1x16xf32> to vector<16xf32>
        %get3A_397 = arith.index_cast %scan3A_378 : i32 to index
        %get3A_398 = arith.constant 48 : index
        %get3A_399 = tpu.vector_load %arg11[%get3A_397, %get3A_398] {strides = array<i32>} : memref<64x128xf32, #tpu.memory_space<vmem>>, vector<1x16xf32>,
        %get3A_400 = vector.shape_cast %get3A_399 : vector<1x16xf32> to vector<16xf32>
        %add3A_401 = arith.addf %get3A_396, %get3A_400 : vector<16xf32>
        %swap3A_402 = arith.index_cast %scan3A_378 : i32 to index
        %swap3A_403 = arith.constant 16 : index
        %swap3A_404 = tpu.vector_load %arg13[%swap3A_402, %swap3A_403] {strides = array<i32>} : memref<64x32xf32, #tpu.memory_space<vmem>>, vector<1x16xf32>,
        %swap3A_405 = vector.shape_cast %swap3A_404 : vector<1x16xf32> to vector<16xf32>
        %swap3A_406 = vector.shape_cast %add3A_401 : vector<16xf32> to vector<1x16xf32>
        tpu.vector_store %arg13[%swap3A_402, %swap3A_403], %swap3A_406 {strides = array<i32>} : memref<64x32xf32, #tpu.memory_space<vmem>>, vector<1x16xf32>,
      }
      %scan3A_268 = arith.constant 64 : i32
      %add3A_269 = arith.addi %mul3A_2, %add3A_245 : i32
      %mul3A_270 = arith.constant 64 : i32
      %mul3A_271 = arith.muli %add3A_269, %mul3A_270 : i32
      %dma_start3A_272 = arith.constant 0 : i32
      %dma_start3A_273 = tpu.memref_slice %arg5[%mul3A_271, %dma_start3A_272] : memref<425984x32xf32, #tpu.memory_space<hbm>> -> memref<64x32xf32, #tpu.memory_space<hbm>>
      %dma_start3A_274 = arith.constant 0 : i32
      %dma_start3A_275 = tpu.memref_slice %arg5[%mul3A_271, %dma_start3A_274] : memref<425984x32xf32, #tpu.memory_space<hbm>> -> memref<64x32xf32, #tpu.memory_space<hbm>>
      tpu.enqueue_dma source(%arg13 : memref<64x32xf32, #tpu.memory_space<vmem>>) target(%dma_start3A_275 : memref<64x32xf32, #tpu.memory_space<hbm>>) target_semaphore(%arg17 : memref<!tpu.dma_semaphore, #tpu.memory_space<semaphore_mem>>)
      %add3A_276 = arith.constant 2 : i32
      %add3A_277 = arith.addi %add3A_245, %add3A_276 : i32
      %dma_start3A_278 = arith.constant 0 : i32
      %dma_start3A_279 = tpu.memref_slice %arg6[%add3A_277, %dma_start3A_278] : memref<208x64xi32, #tpu.memory_space<vmem>> -> memref<1x64xi32, #tpu.memory_space<vmem>>
      %dma_start3A_280 = tpu.memref_squeeze %dma_start3A_279 : memref<1x64xi32, #tpu.memory_space<vmem>> -> memref<64xi32, #tpu.memory_space<vmem>>
      %dma_start3A_281 = arith.constant 0 : i32
      %dma_start3A_282 = arith.constant 0 : i32
      %dma_start3A_283 = tpu.memref_slice %arg2[%dma_start3A_281, %dma_start3A_282] : memref<1000000x128xf32, #tpu.memory_space<hbm>> -> memref<1000000x128xf32, #tpu.memory_space<hbm>>
      tpu.enqueue_indirect_dma source(%dma_start3A_283 : memref<1000000x128xf32, #tpu.memory_space<hbm>>) target(%arg9 : memref<64x128xf32, #tpu.memory_space<vmem>>) offsets(%dma_start3A_280 : memref<64xi32, #tpu.memory_space<vmem>>) semaphore(%arg15 : memref<!tpu.dma_semaphore, #tpu.memory_space<semaphore_mem>>)
      %dma_start3A_284 = arith.constant 0 : i32
      %dma_start3A_285 = tpu.memref_slice %arg7[%add3A_277, %dma_start3A_284] : memref<208x64xi32, #tpu.memory_space<vmem>> -> memref<1x64xi32, #tpu.memory_space<vmem>>
      %dma_start3A_286 = tpu.memref_squeeze %dma_start3A_285 : memref<1x64xi32, #tpu.memory_space<vmem>> -> memref<64xi32, #tpu.memory_space<vmem>>
      %dma_start3A_287 = arith.constant 0 : i32
      %dma_start3A_288 = arith.constant 0 : i32
      %dma_start3A_289 = tpu.memref_slice %arg2[%dma_start3A_287, %dma_start3A_288] : memref<1000000x128xf32, #tpu.memory_space<hbm>> -> memref<1000000x128xf32, #tpu.memory_space<hbm>>
      tpu.enqueue_indirect_dma source(%dma_start3A_289 : memref<1000000x128xf32, #tpu.memory_space<hbm>>) target(%arg11 : memref<64x128xf32, #tpu.memory_space<vmem>>) offsets(%dma_start3A_286 : memref<64xi32, #tpu.memory_space<vmem>>) semaphore(%arg15 : memref<!tpu.dma_semaphore, #tpu.memory_space<semaphore_mem>>)
    }
    %scan3A_114 = arith.constant 102 : i32
    %dma_wait3A_115 = arith.constant 206 : i32
    %dma_wait3A_116 = arith.constant 0 : i32
    %dma_wait3A_117 = tpu.memref_slice %arg6[%dma_wait3A_115, %dma_wait3A_116] : memref<208x64xi32, #tpu.memory_space<vmem>> -> memref<1x64xi32, #tpu.memory_space<vmem>>
    %dma_wait3A_118 = tpu.memref_squeeze %dma_wait3A_117 : memref<1x64xi32, #tpu.memory_space<vmem>> -> memref<64xi32, #tpu.memory_space<vmem>>
    %dma_wait3A_119 = arith.constant 0 : i32
    %dma_wait3A_120 = arith.constant 0 : i32
    %dma_wait3A_121 = tpu.memref_slice %arg2[%dma_wait3A_119, %dma_wait3A_120] : memref<1000000x128xf32, #tpu.memory_space<hbm>> -> memref<1000000x128xf32, #tpu.memory_space<hbm>>
    tpu.wait_indirect_dma semaphore(%arg14 : memref<!tpu.dma_semaphore, #tpu.memory_space<semaphore_mem>>) src(%dma_wait3A_121 : memref<1000000x128xf32, #tpu.memory_space<hbm>>) dst(%arg8 : memref<64x128xf32, #tpu.memory_space<vmem>>)
    %dma_wait3A_122 = arith.constant 206 : i32
    %dma_wait3A_123 = arith.constant 0 : i32
    %dma_wait3A_124 = tpu.memref_slice %arg7[%dma_wait3A_122, %dma_wait3A_123] : memref<208x64xi32, #tpu.memory_space<vmem>> -> memref<1x64xi32, #tpu.memory_space<vmem>>
    %dma_wait3A_125 = tpu.memref_squeeze %dma_wait3A_124 : memref<1x64xi32, #tpu.memory_space<vmem>> -> memref<64xi32, #tpu.memory_space<vmem>>
    %dma_wait3A_126 = arith.constant 0 : i32
    %dma_wait3A_127 = arith.constant 0 : i32
    %dma_wait3A_128 = tpu.memref_slice %arg2[%dma_wait3A_126, %dma_wait3A_127] : memref<1000000x128xf32, #tpu.memory_space<hbm>> -> memref<1000000x128xf32, #tpu.memory_space<hbm>>
    tpu.wait_indirect_dma semaphore(%arg14 : memref<!tpu.dma_semaphore, #tpu.memory_space<semaphore_mem>>) src(%dma_wait3A_128 : memref<1000000x128xf32, #tpu.memory_space<hbm>>) dst(%arg10 : memref<64x128xf32, #tpu.memory_space<vmem>>)
    %dma_wait3A_129 = arith.constant 0 : i32
    %dma_wait3A_130 = arith.constant 0 : i32
    %dma_wait3A_131 = tpu.memref_slice %arg5[%dma_wait3A_129, %dma_wait3A_130] : memref<425984x32xf32, #tpu.memory_space<hbm>> -> memref<64x32xf32, #tpu.memory_space<hbm>>
    %dma_wait3A_132 = arith.constant 0 : i32
    %dma_wait3A_133 = arith.constant 0 : i32
    %dma_wait3A_134 = tpu.memref_slice %arg5[%dma_wait3A_132, %dma_wait3A_133] : memref<425984x32xf32, #tpu.memory_space<hbm>> -> memref<64x32xf32, #tpu.memory_space<hbm>>
    tpu.wait_dma2 semaphore(%arg16 : memref<!tpu.dma_semaphore, #tpu.memory_space<semaphore_mem>>) src(%arg12 : memref<64x32xf32, #tpu.memory_space<vmem>>) dst(%dma_wait3A_134 : memref<64x32xf32, #tpu.memory_space<hbm>>)
    %scan3A_135 = arith.constant 0 : i32
    %scan3A_136 = arith.constant 64 : i32
    %scan3A_137 = arith.addi %scan3A_135, %scan3A_136 : i32
    %scan3A_138 = arith.constant 4 : i32
    scf.for %scan3A_193 = %scan3A_135 to %scan3A_137 step %scan3A_138  : i32 {
      %get3A = arith.index_cast %scan3A_193 : i32 to index
      %get3A_194 = arith.constant 0 : index
      %get3A_195 = tpu.vector_load %arg8[%get3A, %get3A_194] {strides = array<i32>} : memref<64x128xf32, #tpu.memory_space<vmem>>, vector<1x16xf32>,
      %get3A_196 = vector.shape_cast %get3A_195 : vector<1x16xf32> to vector<16xf32>
      %get3A_197 = arith.index_cast %scan3A_193 : i32 to index
      %get3A_198 = arith.constant 32 : index
      %get3A_199 = tpu.vector_load %arg10[%get3A_197, %get3A_198] {strides = array<i32>} : memref<64x128xf32, #tpu.memory_space<vmem>>, vector<1x16xf32>,
      %get3A_200 = vector.shape_cast %get3A_199 : vector<1x16xf32> to vector<16xf32>
      %add3A_201 = arith.addf %get3A_196, %get3A_200 : vector<16xf32>
      %swap3A = arith.index_cast %scan3A_193 : i32 to index
      %swap3A_202 = arith.constant 0 : index
      %swap3A_203 = tpu.vector_load %arg12[%swap3A, %swap3A_202] {strides = array<i32>} : memref<64x32xf32, #tpu.memory_space<vmem>>, vector<1x16xf32>,
      %swap3A_204 = vector.shape_cast %swap3A_203 : vector<1x16xf32> to vector<16xf32>
      %swap3A_205 = vector.shape_cast %add3A_201 : vector<16xf32> to vector<1x16xf32>
      tpu.vector_store %arg12[%swap3A, %swap3A_202], %swap3A_205 {strides = array<i32>} : memref<64x32xf32, #tpu.memory_space<vmem>>, vector<1x16xf32>,
      %get3A_206 = arith.index_cast %scan3A_193 : i32 to index
      %get3A_207 = arith.constant 16 : index
      %get3A_208 = tpu.vector_load %arg8[%get3A_206, %get3A_207] {strides = array<i32>} : memref<64x128xf32, #tpu.memory_space<vmem>>, vector<1x16xf32>,
      %get3A_209 = vector.shape_cast %get3A_208 : vector<1x16xf32> to vector<16xf32>
      %get3A_210 = arith.index_cast %scan3A_193 : i32 to index
      %get3A_211 = arith.constant 48 : index
      %get3A_212 = tpu.vector_load %arg10[%get3A_210, %get3A_211] {strides = array<i32>} : memref<64x128xf32, #tpu.memory_space<vmem>>, vector<1x16xf32>,
      %get3A_213 = vector.shape_cast %get3A_212 : vector<1x16xf32> to vector<16xf32>
      %add3A_214 = arith.addf %get3A_209, %get3A_213 : vector<16xf32>
      %swap3A_215 = arith.index_cast %scan3A_193 : i32 to index
      %swap3A_216 = arith.constant 16 : index
      %swap3A_217 = tpu.vector_load %arg12[%swap3A_215, %swap3A_216] {strides = array<i32>} : memref<64x32xf32, #tpu.memory_space<vmem>>, vector<1x16xf32>,
      %swap3A_218 = vector.shape_cast %swap3A_217 : vector<1x16xf32> to vector<16xf32>
      %swap3A_219 = vector.shape_cast %add3A_214 : vector<16xf32> to vector<1x16xf32>
      tpu.vector_store %arg12[%swap3A_215, %swap3A_216], %swap3A_219 {strides = array<i32>} : memref<64x32xf32, #tpu.memory_space<vmem>>, vector<1x16xf32>,
      %scan3A_220 = arith.constant 1 : i32
      %scan3A_221 = arith.addi %scan3A_193, %scan3A_220 : i32
      %get3A_222 = arith.index_cast %scan3A_221 : i32 to index
      %get3A_223 = arith.constant 0 : index
      %get3A_224 = tpu.vector_load %arg8[%get3A_222, %get3A_223] {strides = array<i32>} : memref<64x128xf32, #tpu.memory_space<vmem>>, vector<1x16xf32>,
      %get3A_225 = vector.shape_cast %get3A_224 : vector<1x16xf32> to vector<16xf32>
      %get3A_226 = arith.index_cast %scan3A_221 : i32 to index
      %get3A_227 = arith.constant 32 : index
      %get3A_228 = tpu.vector_load %arg10[%get3A_226, %get3A_227] {strides = array<i32>} : memref<64x128xf32, #tpu.memory_space<vmem>>, vector<1x16xf32>,
      %get3A_229 = vector.shape_cast %get3A_228 : vector<1x16xf32> to vector<16xf32>
      %add3A_230 = arith.addf %get3A_225, %get3A_229 : vector<16xf32>
      %swap3A_231 = arith.index_cast %scan3A_221 : i32 to index
      %swap3A_232 = arith.constant 0 : index
      %swap3A_233 = tpu.vector_load %arg12[%swap3A_231, %swap3A_232] {strides = array<i32>} : memref<64x32xf32, #tpu.memory_space<vmem>>, vector<1x16xf32>,
      %swap3A_234 = vector.shape_cast %swap3A_233 : vector<1x16xf32> to vector<16xf32>
      %swap3A_235 = vector.shape_cast %add3A_230 : vector<16xf32> to vector<1x16xf32>
      tpu.vector_store %arg12[%swap3A_231, %swap3A_232], %swap3A_235 {strides = array<i32>} : memref<64x32xf32, #tpu.memory_space<vmem>>, vector<1x16xf32>,
      %get3A_236 = arith.index_cast %scan3A_221 : i32 to index
      %get3A_237 = arith.constant 16 : index
      %get3A_238 = tpu.vector_load %arg8[%get3A_236, %get3A_237] {strides = array<i32>} : memref<64x128xf32, #tpu.memory_space<vmem>>, vector<1x16xf32>,
      %get3A_239 = vector.shape_cast %get3A_238 : vector<1x16xf32> to vector<16xf32>
      %get3A_240 = arith.index_cast %scan3A_221 : i32 to index
      %get3A_241 = arith.constant 48 : index
      %get3A_242 = tpu.vector_load %arg10[%get3A_240, %get3A_241] {strides = array<i32>} : memref<64x128xf32, #tpu.memory_space<vmem>>, vector<1x16xf32>,
      %get3A_243 = vector.shape_cast %get3A_242 : vector<1x16xf32> to vector<16xf32>
      %add3A_244 = arith.addf %get3A_239, %get3A_243 : vector<16xf32>
      %swap3A_245 = arith.index_cast %scan3A_221 : i32 to index
      %swap3A_246 = arith.constant 16 : index
      %swap3A_247 = tpu.vector_load %arg12[%swap3A_245, %swap3A_246] {strides = array<i32>} : memref<64x32xf32, #tpu.memory_space<vmem>>, vector<1x16xf32>,
      %swap3A_248 = vector.shape_cast %swap3A_247 : vector<1x16xf32> to vector<16xf32>
      %swap3A_249 = vector.shape_cast %add3A_244 : vector<16xf32> to vector<1x16xf32>
      tpu.vector_store %arg12[%swap3A_245, %swap3A_246], %swap3A_249 {strides = array<i32>} : memref<64x32xf32, #tpu.memory_space<vmem>>, vector<1x16xf32>,
      %scan3A_250 = arith.constant 2 : i32
      %scan3A_251 = arith.addi %scan3A_193, %scan3A_250 : i32
      %get3A_252 = arith.index_cast %scan3A_251 : i32 to index
      %get3A_253 = arith.constant 0 : index
      %get3A_254 = tpu.vector_load %arg8[%get3A_252, %get3A_253] {strides = array<i32>} : memref<64x128xf32, #tpu.memory_space<vmem>>, vector<1x16xf32>,
      %get3A_255 = vector.shape_cast %get3A_254 : vector<1x16xf32> to vector<16xf32>
      %get3A_256 = arith.index_cast %scan3A_251 : i32 to index
      %get3A_257 = arith.constant 32 : index
      %get3A_258 = tpu.vector_load %arg10[%get3A_256, %get3A_257] {strides = array<i32>} : memref<64x128xf32, #tpu.memory_space<vmem>>, vector<1x16xf32>,
      %get3A_259 = vector.shape_cast %get3A_258 : vector<1x16xf32> to vector<16xf32>
      %add3A_260 = arith.addf %get3A_255, %get3A_259 : vector<16xf32>
      %swap3A_261 = arith.index_cast %scan3A_251 : i32 to index
      %swap3A_262 = arith.constant 0 : index
      %swap3A_263 = tpu.vector_load %arg12[%swap3A_261, %swap3A_262] {strides = array<i32>} : memref<64x32xf32, #tpu.memory_space<vmem>>, vector<1x16xf32>,
      %swap3A_264 = vector.shape_cast %swap3A_263 : vector<1x16xf32> to vector<16xf32>
      %swap3A_265 = vector.shape_cast %add3A_260 : vector<16xf32> to vector<1x16xf32>
      tpu.vector_store %arg12[%swap3A_261, %swap3A_262], %swap3A_265 {strides = array<i32>} : memref<64x32xf32, #tpu.memory_space<vmem>>, vector<1x16xf32>,
      %get3A_266 = arith.index_cast %scan3A_251 : i32 to index
      %get3A_267 = arith.constant 16 : index
      %get3A_268 = tpu.vector_load %arg8[%get3A_266, %get3A_267] {strides = array<i32>} : memref<64x128xf32, #tpu.memory_space<vmem>>, vector<1x16xf32>,
      %get3A_269 = vector.shape_cast %get3A_268 : vector<1x16xf32> to vector<16xf32>
      %get3A_270 = arith.index_cast %scan3A_251 : i32 to index
      %get3A_271 = arith.constant 48 : index
      %get3A_272 = tpu.vector_load %arg10[%get3A_270, %get3A_271] {strides = array<i32>} : memref<64x128xf32, #tpu.memory_space<vmem>>, vector<1x16xf32>,
      %get3A_273 = vector.shape_cast %get3A_272 : vector<1x16xf32> to vector<16xf32>
      %add3A_274 = arith.addf %get3A_269, %get3A_273 : vector<16xf32>
      %swap3A_275 = arith.index_cast %scan3A_251 : i32 to index
      %swap3A_276 = arith.constant 16 : index
      %swap3A_277 = tpu.vector_load %arg12[%swap3A_275, %swap3A_276] {strides = array<i32>} : memref<64x32xf32, #tpu.memory_space<vmem>>, vector<1x16xf32>,
      %swap3A_278 = vector.shape_cast %swap3A_277 : vector<1x16xf32> to vector<16xf32>
      %swap3A_279 = vector.shape_cast %add3A_274 : vector<16xf32> to vector<1x16xf32>
      tpu.vector_store %arg12[%swap3A_275, %swap3A_276], %swap3A_279 {strides = array<i32>} : memref<64x32xf32, #tpu.memory_space<vmem>>, vector<1x16xf32>,
      %scan3A_280 = arith.constant 3 : i32
      %scan3A_281 = arith.addi %scan3A_193, %scan3A_280 : i32
      %get3A_282 = arith.index_cast %scan3A_281 : i32 to index
      %get3A_283 = arith.constant 0 : index
      %get3A_284 = tpu.vector_load %arg8[%get3A_282, %get3A_283] {strides = array<i32>} : memref<64x128xf32, #tpu.memory_space<vmem>>, vector<1x16xf32>,
      %get3A_285 = vector.shape_cast %get3A_284 : vector<1x16xf32> to vector<16xf32>
      %get3A_286 = arith.index_cast %scan3A_281 : i32 to index
      %get3A_287 = arith.constant 32 : index
      %get3A_288 = tpu.vector_load %arg10[%get3A_286, %get3A_287] {strides = array<i32>} : memref<64x128xf32, #tpu.memory_space<vmem>>, vector<1x16xf32>,
      %get3A_289 = vector.shape_cast %get3A_288 : vector<1x16xf32> to vector<16xf32>
      %add3A_290 = arith.addf %get3A_285, %get3A_289 : vector<16xf32>
      %swap3A_291 = arith.index_cast %scan3A_281 : i32 to index
      %swap3A_292 = arith.constant 0 : index
      %swap3A_293 = tpu.vector_load %arg12[%swap3A_291, %swap3A_292] {strides = array<i32>} : memref<64x32xf32, #tpu.memory_space<vmem>>, vector<1x16xf32>,
      %swap3A_294 = vector.shape_cast %swap3A_293 : vector<1x16xf32> to vector<16xf32>
      %swap3A_295 = vector.shape_cast %add3A_290 : vector<16xf32> to vector<1x16xf32>
      tpu.vector_store %arg12[%swap3A_291, %swap3A_292], %swap3A_295 {strides = array<i32>} : memref<64x32xf32, #tpu.memory_space<vmem>>, vector<1x16xf32>,
      %get3A_296 = arith.index_cast %scan3A_281 : i32 to index
      %get3A_297 = arith.constant 16 : index
      %get3A_298 = tpu.vector_load %arg8[%get3A_296, %get3A_297] {strides = array<i32>} : memref<64x128xf32, #tpu.memory_space<vmem>>, vector<1x16xf32>,
      %get3A_299 = vector.shape_cast %get3A_298 : vector<1x16xf32> to vector<16xf32>
      %get3A_300 = arith.index_cast %scan3A_281 : i32 to index
      %get3A_301 = arith.constant 48 : index
      %get3A_302 = tpu.vector_load %arg10[%get3A_300, %get3A_301] {strides = array<i32>} : memref<64x128xf32, #tpu.memory_space<vmem>>, vector<1x16xf32>,
      %get3A_303 = vector.shape_cast %get3A_302 : vector<1x16xf32> to vector<16xf32>
      %add3A_304 = arith.addf %get3A_299, %get3A_303 : vector<16xf32>
      %swap3A_305 = arith.index_cast %scan3A_281 : i32 to index
      %swap3A_306 = arith.constant 16 : index
      %swap3A_307 = tpu.vector_load %arg12[%swap3A_305, %swap3A_306] {strides = array<i32>} : memref<64x32xf32, #tpu.memory_space<vmem>>, vector<1x16xf32>,
      %swap3A_308 = vector.shape_cast %swap3A_307 : vector<1x16xf32> to vector<16xf32>
      %swap3A_309 = vector.shape_cast %add3A_304 : vector<16xf32> to vector<1x16xf32>
      tpu.vector_store %arg12[%swap3A_305, %swap3A_306], %swap3A_309 {strides = array<i32>} : memref<64x32xf32, #tpu.memory_space<vmem>>, vector<1x16xf32>,
    }
    %scan3A_139 = arith.constant 64 : i32
    %add3A_140 = arith.constant 206 : i32
    %add3A_141 = arith.addi %mul3A_2, %add3A_140 : i32
    %mul3A_142 = arith.constant 64 : i32
    %mul3A_143 = arith.muli %add3A_141, %mul3A_142 : i32
    %dma_start3A_144 = arith.constant 0 : i32
    %dma_start3A_145 = tpu.memref_slice %arg5[%mul3A_143, %dma_start3A_144] : memref<425984x32xf32, #tpu.memory_space<hbm>> -> memref<64x32xf32, #tpu.memory_space<hbm>>
    %dma_start3A_146 = arith.constant 0 : i32
    %dma_start3A_147 = tpu.memref_slice %arg5[%mul3A_143, %dma_start3A_146] : memref<425984x32xf32, #tpu.memory_space<hbm>> -> memref<64x32xf32, #tpu.memory_space<hbm>>
    tpu.enqueue_dma source(%arg12 : memref<64x32xf32, #tpu.memory_space<vmem>>) target(%dma_start3A_147 : memref<64x32xf32, #tpu.memory_space<hbm>>) target_semaphore(%arg16 : memref<!tpu.dma_semaphore, #tpu.memory_space<semaphore_mem>>)
    %dma_wait3A_148 = arith.constant 207 : i32
    %dma_wait3A_149 = arith.constant 0 : i32
    %dma_wait3A_150 = tpu.memref_slice %arg6[%dma_wait3A_148, %dma_wait3A_149] : memref<208x64xi32, #tpu.memory_space<vmem>> -> memref<1x64xi32, #tpu.memory_space<vmem>>
    %dma_wait3A_151 = tpu.memref_squeeze %dma_wait3A_150 : memref<1x64xi32, #tpu.memory_space<vmem>> -> memref<64xi32, #tpu.memory_space<vmem>>
    %dma_wait3A_152 = arith.constant 0 : i32
    %dma_wait3A_153 = arith.constant 0 : i32
    %dma_wait3A_154 = tpu.memref_slice %arg2[%dma_wait3A_152, %dma_wait3A_153] : memref<1000000x128xf32, #tpu.memory_space<hbm>> -> memref<1000000x128xf32, #tpu.memory_space<hbm>>
    tpu.wait_indirect_dma semaphore(%arg15 : memref<!tpu.dma_semaphore, #tpu.memory_space<semaphore_mem>>) src(%dma_wait3A_154 : memref<1000000x128xf32, #tpu.memory_space<hbm>>) dst(%arg9 : memref<64x128xf32, #tpu.memory_space<vmem>>)
    %dma_wait3A_155 = arith.constant 207 : i32
    %dma_wait3A_156 = arith.constant 0 : i32
    %dma_wait3A_157 = tpu.memref_slice %arg7[%dma_wait3A_155, %dma_wait3A_156] : memref<208x64xi32, #tpu.memory_space<vmem>> -> memref<1x64xi32, #tpu.memory_space<vmem>>
    %dma_wait3A_158 = tpu.memref_squeeze %dma_wait3A_157 : memref<1x64xi32, #tpu.memory_space<vmem>> -> memref<64xi32, #tpu.memory_space<vmem>>
    %dma_wait3A_159 = arith.constant 0 : i32
    %dma_wait3A_160 = arith.constant 0 : i32
    %dma_wait3A_161 = tpu.memref_slice %arg2[%dma_wait3A_159, %dma_wait3A_160] : memref<1000000x128xf32, #tpu.memory_space<hbm>> -> memref<1000000x128xf32, #tpu.memory_space<hbm>>
    tpu.wait_indirect_dma semaphore(%arg15 : memref<!tpu.dma_semaphore, #tpu.memory_space<semaphore_mem>>) src(%dma_wait3A_161 : memref<1000000x128xf32, #tpu.memory_space<hbm>>) dst(%arg11 : memref<64x128xf32, #tpu.memory_space<vmem>>)
    %dma_wait3A_162 = arith.constant 0 : i32
    %dma_wait3A_163 = arith.constant 0 : i32
    %dma_wait3A_164 = tpu.memref_slice %arg5[%dma_wait3A_162, %dma_wait3A_163] : memref<425984x32xf32, #tpu.memory_space<hbm>> -> memref<64x32xf32, #tpu.memory_space<hbm>>
    %dma_wait3A_165 = arith.constant 0 : i32
    %dma_wait3A_166 = arith.constant 0 : i32
    %dma_wait3A_167 = tpu.memref_slice %arg5[%dma_wait3A_165, %dma_wait3A_166] : memref<425984x32xf32, #tpu.memory_space<hbm>> -> memref<64x32xf32, #tpu.memory_space<hbm>>
    tpu.wait_dma2 semaphore(%arg17 : memref<!tpu.dma_semaphore, #tpu.memory_space<semaphore_mem>>) src(%arg13 : memref<64x32xf32, #tpu.memory_space<vmem>>) dst(%dma_wait3A_167 : memref<64x32xf32, #tpu.memory_space<hbm>>)
    %scan3A_168 = arith.constant 0 : i32
    %scan3A_169 = arith.constant 64 : i32
    %scan3A_170 = arith.addi %scan3A_168, %scan3A_169 : i32
    %scan3A_171 = arith.constant 4 : i32
    scf.for %scan3A_193 = %scan3A_168 to %scan3A_170 step %scan3A_171  : i32 {
      %get3A = arith.index_cast %scan3A_193 : i32 to index
      %get3A_194 = arith.constant 0 : index
      %get3A_195 = tpu.vector_load %arg9[%get3A, %get3A_194] {strides = array<i32>} : memref<64x128xf32, #tpu.memory_space<vmem>>, vector<1x16xf32>,
      %get3A_196 = vector.shape_cast %get3A_195 : vector<1x16xf32> to vector<16xf32>
      %get3A_197 = arith.index_cast %scan3A_193 : i32 to index
      %get3A_198 = arith.constant 32 : index
      %get3A_199 = tpu.vector_load %arg11[%get3A_197, %get3A_198] {strides = array<i32>} : memref<64x128xf32, #tpu.memory_space<vmem>>, vector<1x16xf32>,
      %get3A_200 = vector.shape_cast %get3A_199 : vector<1x16xf32> to vector<16xf32>
      %add3A_201 = arith.addf %get3A_196, %get3A_200 : vector<16xf32>
      %swap3A = arith.index_cast %scan3A_193 : i32 to index
      %swap3A_202 = arith.constant 0 : index
      %swap3A_203 = tpu.vector_load %arg13[%swap3A, %swap3A_202] {strides = array<i32>} : memref<64x32xf32, #tpu.memory_space<vmem>>, vector<1x16xf32>,
      %swap3A_204 = vector.shape_cast %swap3A_203 : vector<1x16xf32> to vector<16xf32>
      %swap3A_205 = vector.shape_cast %add3A_201 : vector<16xf32> to vector<1x16xf32>
      tpu.vector_store %arg13[%swap3A, %swap3A_202], %swap3A_205 {strides = array<i32>} : memref<64x32xf32, #tpu.memory_space<vmem>>, vector<1x16xf32>,
      %get3A_206 = arith.index_cast %scan3A_193 : i32 to index
      %get3A_207 = arith.constant 16 : index
      %get3A_208 = tpu.vector_load %arg9[%get3A_206, %get3A_207] {strides = array<i32>} : memref<64x128xf32, #tpu.memory_space<vmem>>, vector<1x16xf32>,
      %get3A_209 = vector.shape_cast %get3A_208 : vector<1x16xf32> to vector<16xf32>
      %get3A_210 = arith.index_cast %scan3A_193 : i32 to index
      %get3A_211 = arith.constant 48 : index
      %get3A_212 = tpu.vector_load %arg11[%get3A_210, %get3A_211] {strides = array<i32>} : memref<64x128xf32, #tpu.memory_space<vmem>>, vector<1x16xf32>,
      %get3A_213 = vector.shape_cast %get3A_212 : vector<1x16xf32> to vector<16xf32>
      %add3A_214 = arith.addf %get3A_209, %get3A_213 : vector<16xf32>
      %swap3A_215 = arith.index_cast %scan3A_193 : i32 to index
      %swap3A_216 = arith.constant 16 : index
      %swap3A_217 = tpu.vector_load %arg13[%swap3A_215, %swap3A_216] {strides = array<i32>} : memref<64x32xf32, #tpu.memory_space<vmem>>, vector<1x16xf32>,
      %swap3A_218 = vector.shape_cast %swap3A_217 : vector<1x16xf32> to vector<16xf32>
      %swap3A_219 = vector.shape_cast %add3A_214 : vector<16xf32> to vector<1x16xf32>
      tpu.vector_store %arg13[%swap3A_215, %swap3A_216], %swap3A_219 {strides = array<i32>} : memref<64x32xf32, #tpu.memory_space<vmem>>, vector<1x16xf32>,
      %scan3A_220 = arith.constant 1 : i32
      %scan3A_221 = arith.addi %scan3A_193, %scan3A_220 : i32
      %get3A_222 = arith.index_cast %scan3A_221 : i32 to index
      %get3A_223 = arith.constant 0 : index
      %get3A_224 = tpu.vector_load %arg9[%get3A_222, %get3A_223] {strides = array<i32>} : memref<64x128xf32, #tpu.memory_space<vmem>>, vector<1x16xf32>,
      %get3A_225 = vector.shape_cast %get3A_224 : vector<1x16xf32> to vector<16xf32>
      %get3A_226 = arith.index_cast %scan3A_221 : i32 to index
      %get3A_227 = arith.constant 32 : index
      %get3A_228 = tpu.vector_load %arg11[%get3A_226, %get3A_227] {strides = array<i32>} : memref<64x128xf32, #tpu.memory_space<vmem>>, vector<1x16xf32>,
      %get3A_229 = vector.shape_cast %get3A_228 : vector<1x16xf32> to vector<16xf32>
      %add3A_230 = arith.addf %get3A_225, %get3A_229 : vector<16xf32>
      %swap3A_231 = arith.index_cast %scan3A_221 : i32 to index
      %swap3A_232 = arith.constant 0 : index
      %swap3A_233 = tpu.vector_load %arg13[%swap3A_231, %swap3A_232] {strides = array<i32>} : memref<64x32xf32, #tpu.memory_space<vmem>>, vector<1x16xf32>,
      %swap3A_234 = vector.shape_cast %swap3A_233 : vector<1x16xf32> to vector<16xf32>
      %swap3A_235 = vector.shape_cast %add3A_230 : vector<16xf32> to vector<1x16xf32>
      tpu.vector_store %arg13[%swap3A_231, %swap3A_232], %swap3A_235 {strides = array<i32>} : memref<64x32xf32, #tpu.memory_space<vmem>>, vector<1x16xf32>,
      %get3A_236 = arith.index_cast %scan3A_221 : i32 to index
      %get3A_237 = arith.constant 16 : index
      %get3A_238 = tpu.vector_load %arg9[%get3A_236, %get3A_237] {strides = array<i32>} : memref<64x128xf32, #tpu.memory_space<vmem>>, vector<1x16xf32>,
      %get3A_239 = vector.shape_cast %get3A_238 : vector<1x16xf32> to vector<16xf32>
      %get3A_240 = arith.index_cast %scan3A_221 : i32 to index
      %get3A_241 = arith.constant 48 : index
      %get3A_242 = tpu.vector_load %arg11[%get3A_240, %get3A_241] {strides = array<i32>} : memref<64x128xf32, #tpu.memory_space<vmem>>, vector<1x16xf32>,
      %get3A_243 = vector.shape_cast %get3A_242 : vector<1x16xf32> to vector<16xf32>
      %add3A_244 = arith.addf %get3A_239, %get3A_243 : vector<16xf32>
      %swap3A_245 = arith.index_cast %scan3A_221 : i32 to index
      %swap3A_246 = arith.constant 16 : index
      %swap3A_247 = tpu.vector_load %arg13[%swap3A_245, %swap3A_246] {strides = array<i32>} : memref<64x32xf32, #tpu.memory_space<vmem>>, vector<1x16xf32>,
      %swap3A_248 = vector.shape_cast %swap3A_247 : vector<1x16xf32> to vector<16xf32>
      %swap3A_249 = vector.shape_cast %add3A_244 : vector<16xf32> to vector<1x16xf32>
      tpu.vector_store %arg13[%swap3A_245, %swap3A_246], %swap3A_249 {strides = array<i32>} : memref<64x32xf32, #tpu.memory_space<vmem>>, vector<1x16xf32>,
      %scan3A_250 = arith.constant 2 : i32
      %scan3A_251 = arith.addi %scan3A_193, %scan3A_250 : i32
      %get3A_252 = arith.index_cast %scan3A_251 : i32 to index
      %get3A_253 = arith.constant 0 : index
      %get3A_254 = tpu.vector_load %arg9[%get3A_252, %get3A_253] {strides = array<i32>} : memref<64x128xf32, #tpu.memory_space<vmem>>, vector<1x16xf32>,
      %get3A_255 = vector.shape_cast %get3A_254 : vector<1x16xf32> to vector<16xf32>
      %get3A_256 = arith.index_cast %scan3A_251 : i32 to index
      %get3A_257 = arith.constant 32 : index
      %get3A_258 = tpu.vector_load %arg11[%get3A_256, %get3A_257] {strides = array<i32>} : memref<64x128xf32, #tpu.memory_space<vmem>>, vector<1x16xf32>,
      %get3A_259 = vector.shape_cast %get3A_258 : vector<1x16xf32> to vector<16xf32>
      %add3A_260 = arith.addf %get3A_255, %get3A_259 : vector<16xf32>
      %swap3A_261 = arith.index_cast %scan3A_251 : i32 to index
      %swap3A_262 = arith.constant 0 : index
      %swap3A_263 = tpu.vector_load %arg13[%swap3A_261, %swap3A_262] {strides = array<i32>} : memref<64x32xf32, #tpu.memory_space<vmem>>, vector<1x16xf32>,
      %swap3A_264 = vector.shape_cast %swap3A_263 : vector<1x16xf32> to vector<16xf32>
      %swap3A_265 = vector.shape_cast %add3A_260 : vector<16xf32> to vector<1x16xf32>
      tpu.vector_store %arg13[%swap3A_261, %swap3A_262], %swap3A_265 {strides = array<i32>} : memref<64x32xf32, #tpu.memory_space<vmem>>, vector<1x16xf32>,
      %get3A_266 = arith.index_cast %scan3A_251 : i32 to index
      %get3A_267 = arith.constant 16 : index
      %get3A_268 = tpu.vector_load %arg9[%get3A_266, %get3A_267] {strides = array<i32>} : memref<64x128xf32, #tpu.memory_space<vmem>>, vector<1x16xf32>,
      %get3A_269 = vector.shape_cast %get3A_268 : vector<1x16xf32> to vector<16xf32>
      %get3A_270 = arith.index_cast %scan3A_251 : i32 to index
      %get3A_271 = arith.constant 48 : index
      %get3A_272 = tpu.vector_load %arg11[%get3A_270, %get3A_271] {strides = array<i32>} : memref<64x128xf32, #tpu.memory_space<vmem>>, vector<1x16xf32>,
      %get3A_273 = vector.shape_cast %get3A_272 : vector<1x16xf32> to vector<16xf32>
      %add3A_274 = arith.addf %get3A_269, %get3A_273 : vector<16xf32>
      %swap3A_275 = arith.index_cast %scan3A_251 : i32 to index
      %swap3A_276 = arith.constant 16 : index
      %swap3A_277 = tpu.vector_load %arg13[%swap3A_275, %swap3A_276] {strides = array<i32>} : memref<64x32xf32, #tpu.memory_space<vmem>>, vector<1x16xf32>,
      %swap3A_278 = vector.shape_cast %swap3A_277 : vector<1x16xf32> to vector<16xf32>
      %swap3A_279 = vector.shape_cast %add3A_274 : vector<16xf32> to vector<1x16xf32>
      tpu.vector_store %arg13[%swap3A_275, %swap3A_276], %swap3A_279 {strides = array<i32>} : memref<64x32xf32, #tpu.memory_space<vmem>>, vector<1x16xf32>,
      %scan3A_280 = arith.constant 3 : i32
      %scan3A_281 = arith.addi %scan3A_193, %scan3A_280 : i32
      %get3A_282 = arith.index_cast %scan3A_281 : i32 to index
      %get3A_283 = arith.constant 0 : index
      %get3A_284 = tpu.vector_load %arg9[%get3A_282, %get3A_283] {strides = array<i32>} : memref<64x128xf32, #tpu.memory_space<vmem>>, vector<1x16xf32>,
      %get3A_285 = vector.shape_cast %get3A_284 : vector<1x16xf32> to vector<16xf32>
      %get3A_286 = arith.index_cast %scan3A_281 : i32 to index
      %get3A_287 = arith.constant 32 : index
      %get3A_288 = tpu.vector_load %arg11[%get3A_286, %get3A_287] {strides = array<i32>} : memref<64x128xf32, #tpu.memory_space<vmem>>, vector<1x16xf32>,
      %get3A_289 = vector.shape_cast %get3A_288 : vector<1x16xf32> to vector<16xf32>
      %add3A_290 = arith.addf %get3A_285, %get3A_289 : vector<16xf32>
      %swap3A_291 = arith.index_cast %scan3A_281 : i32 to index
      %swap3A_292 = arith.constant 0 : index
      %swap3A_293 = tpu.vector_load %arg13[%swap3A_291, %swap3A_292] {strides = array<i32>} : memref<64x32xf32, #tpu.memory_space<vmem>>, vector<1x16xf32>,
      %swap3A_294 = vector.shape_cast %swap3A_293 : vector<1x16xf32> to vector<16xf32>
      %swap3A_295 = vector.shape_cast %add3A_290 : vector<16xf32> to vector<1x16xf32>
      tpu.vector_store %arg13[%swap3A_291, %swap3A_292], %swap3A_295 {strides = array<i32>} : memref<64x32xf32, #tpu.memory_space<vmem>>, vector<1x16xf32>,
      %get3A_296 = arith.index_cast %scan3A_281 : i32 to index
      %get3A_297 = arith.constant 16 : index
      %get3A_298 = tpu.vector_load %arg9[%get3A_296, %get3A_297] {strides = array<i32>} : memref<64x128xf32, #tpu.memory_space<vmem>>, vector<1x16xf32>,
      %get3A_299 = vector.shape_cast %get3A_298 : vector<1x16xf32> to vector<16xf32>
      %get3A_300 = arith.index_cast %scan3A_281 : i32 to index
      %get3A_301 = arith.constant 48 : index
      %get3A_302 = tpu.vector_load %arg11[%get3A_300, %get3A_301] {strides = array<i32>} : memref<64x128xf32, #tpu.memory_space<vmem>>, vector<1x16xf32>,
      %get3A_303 = vector.shape_cast %get3A_302 : vector<1x16xf32> to vector<16xf32>
      %add3A_304 = arith.addf %get3A_299, %get3A_303 : vector<16xf32>
      %swap3A_305 = arith.index_cast %scan3A_281 : i32 to index
      %swap3A_306 = arith.constant 16 : index
      %swap3A_307 = tpu.vector_load %arg13[%swap3A_305, %swap3A_306] {strides = array<i32>} : memref<64x32xf32, #tpu.memory_space<vmem>>, vector<1x16xf32>,
      %swap3A_308 = vector.shape_cast %swap3A_307 : vector<1x16xf32> to vector<16xf32>
      %swap3A_309 = vector.shape_cast %add3A_304 : vector<16xf32> to vector<1x16xf32>
      tpu.vector_store %arg13[%swap3A_305, %swap3A_306], %swap3A_309 {strides = array<i32>} : memref<64x32xf32, #tpu.memory_space<vmem>>, vector<1x16xf32>,
    }
    %scan3A_172 = arith.constant 64 : i32
    %add3A_173 = arith.constant 207 : i32
    %add3A_174 = arith.addi %mul3A_2, %add3A_173 : i32
    %mul3A_175 = arith.constant 64 : i32
    %mul3A_176 = arith.muli %add3A_174, %mul3A_175 : i32
    %dma_start3A_177 = arith.constant 0 : i32
    %dma_start3A_178 = tpu.memref_slice %arg5[%mul3A_176, %dma_start3A_177] : memref<425984x32xf32, #tpu.memory_space<hbm>> -> memref<64x32xf32, #tpu.memory_space<hbm>>
    %dma_start3A_179 = arith.constant 0 : i32
    %dma_start3A_180 = tpu.memref_slice %arg5[%mul3A_176, %dma_start3A_179] : memref<425984x32xf32, #tpu.memory_space<hbm>> -> memref<64x32xf32, #tpu.memory_space<hbm>>
    tpu.enqueue_dma source(%arg13 : memref<64x32xf32, #tpu.memory_space<vmem>>) target(%dma_start3A_180 : memref<64x32xf32, #tpu.memory_space<hbm>>) target_semaphore(%arg17 : memref<!tpu.dma_semaphore, #tpu.memory_space<semaphore_mem>>)
    %dma_wait3A_181 = arith.constant 0 : i32
    %dma_wait3A_182 = arith.constant 0 : i32
    %dma_wait3A_183 = tpu.memref_slice %arg5[%dma_wait3A_181, %dma_wait3A_182] : memref<425984x32xf32, #tpu.memory_space<hbm>> -> memref<64x32xf32, #tpu.memory_space<hbm>>
    %dma_wait3A_184 = arith.constant 0 : i32
    %dma_wait3A_185 = arith.constant 0 : i32
    %dma_wait3A_186 = tpu.memref_slice %arg5[%dma_wait3A_184, %dma_wait3A_185] : memref<425984x32xf32, #tpu.memory_space<hbm>> -> memref<64x32xf32, #tpu.memory_space<hbm>>
    tpu.wait_dma2 semaphore(%arg16 : memref<!tpu.dma_semaphore, #tpu.memory_space<semaphore_mem>>) src(%arg12 : memref<64x32xf32, #tpu.memory_space<vmem>>) dst(%dma_wait3A_186 : memref<64x32xf32, #tpu.memory_space<hbm>>)
    %dma_wait3A_187 = arith.constant 0 : i32
    %dma_wait3A_188 = arith.constant 0 : i32
    %dma_wait3A_189 = tpu.memref_slice %arg5[%dma_wait3A_187, %dma_wait3A_188] : memref<425984x32xf32, #tpu.memory_space<hbm>> -> memref<64x32xf32, #tpu.memory_space<hbm>>
    %dma_wait3A_190 = arith.constant 0 : i32
    %dma_wait3A_191 = arith.constant 0 : i32
    %dma_wait3A_192 = tpu.memref_slice %arg5[%dma_wait3A_190, %dma_wait3A_191] : memref<425984x32xf32, #tpu.memory_space<hbm>> -> memref<64x32xf32, #tpu.memory_space<hbm>>
    tpu.wait_dma2 semaphore(%arg17 : memref<!tpu.dma_semaphore, #tpu.memory_space<semaphore_mem>>) src(%arg13 : memref<64x32xf32, #tpu.memory_space<vmem>>) dst(%dma_wait3A_192 : memref<64x32xf32, #tpu.memory_space<hbm>>)
    return
  }
}

</mosaic_0001>

<sc_bundles>
// kernel: kernel.3.cloned.1.call-start
scs
__scs_entry_jumppad:
0x0: {  	(pc) =	sbr.rel $0x88, $3  }
0x1: {  	(tag) =	ssettag $0x0;
	lr =	simm.s32 $0x1  }
0x2: {  	[smem:$0x3F9D] =	sst lr;
	_ =	strace $0xD0000000  }
0x3: {  	_ = 	snop  }
0x4: {  	_ = 	snop  }
0x5: {  	_ = 	snop  }
0x6: {  	_ = 	snop  }
0x7: {  	_ = 	snop  }
__scs_overlays_trampoline_lowered:
0x8: {  	[smem:$0x3FAC] =	sst s0  }
0x9: {  	[smem:$0x3FAD] =	sst s1  }
0xa: {  	[smem:$0x3FAE] =	sst s2  }
0xb: {  	[smem:$0x3FAF] =	sst s3  }
0xc: {  	[smem:$0x3FB0] =	sst s4  }
0xd: {  	[smem:$0x3FB1] =	sst s5  }
0xe: {  	[smem:$0x3FB2] =	sst s6  }
0xf: {  	[smem:$0x3FB3] =	sst s7  }
0x10: {  	[smem:$0x3FB4] =	sst s8  }
0x11: {  	[smem:$0x3FB5] =	sst s9;
	s0 =	simm.s32 @!p0 $0x0  }
0x12: {  	s1 =	sld [smem:$0x3F9B];
	s0 =	simm.s32 @p0 $0x1  }
0x13: {  	[smem:$0x3FB6] =	sst s0;
	s0 =	simm.s32 @!p1 $0x0  }
0x14: {  	s2 =	sld [smem:$0x3F9A];
	s0 =	simm.s32 @p1 $0x1  }
0x15: {  	[smem:$0x3FB7] =	sst s0;
	s0 =	simm.s32 @!p2 $0x0  }
0x16: {  	s3 =	sld [smem:$0x3FDB];
	s0 =	simm.s32 @p2 $0x1  }
0x17: {  	s4 =	simm.s32 $0x1BF5;
	[smem:$0x3FB9] =	sst s0  }
0x18: {  	s0 =	sld [smem:$0x3F9C];
	_ =	swait.ge [sflag:s4], $0x0  }
0x19: {  	s7 =	sld [smem:$0x3F9D]  }
0x1a: {  	s8 =	sadd.s32 $0xFFFFE003, lr  }
0x1b: {  	s9 =	sadd.s32 $0xFFFFFEF7, lr;
	s5 =	simm.s32 $0xFFFFFFFF;
	p2 =	slt.u32 s8, $0xFFFFF086  }
0x1c: {  	p1 =	slt.u32 s9, $0xF7A;
	s5 =	simm.s32 @!p2 $0x0  }
0x1d: {  	s5 =	simm.s32 @p1 $0x1;
	p0 =	seq.s32 s7, s2  }
0x1e: {  	s7 =	smul.u32 @!p0 $0xF7A, s2;
	p2 =	seq.s32 @!p0 s5, $0x0  }
0x1f: {  	s9 =	smul.u32 $0xF7A, s1;
	s8 =	simm.s32 @!p0 $0x1BF5;
	p2 =	por !p2, p0  }
0x20: {  	[sflag:s8] =	ssyncset.s32 @!p0 $0xFFFFF086;
	s6 =	sadd.s32 @!p0 s3, s7;
	s7 =	simm.s32 @!p0 $0x108  }
0x21: {  	s3 =	sadd.s32 s3, s9;
	s6 =	sadd.s32 @!p0 $0x88, s6;
	s7 =	simm.s32 @p2 $0x1082  }
0x22: {  	[simem:s7], [sflag:s8] =	dma.local @!p0 [hbm:s6], $0xF7A  }
0x23: {  	s9 =	sor.u32 $0xD0000000, s2;
	s6 =	simm.s32 $0x108;
	_ =	swait.ge @!p0 [sflag:s8], $0x0  }
0x24: {  	s3 =	sadd.s32 $0x88, s3;
	s6 =	simm.s32 @!p1 $0x1082;
	[sflag:s4] =	ssyncset.s32 $0xFFFFF086  }
0x25: {  	[simem:s6], [sflag:s4] =	dma.local [hbm:s3], $0xF7A  }
0x26: {  	[smem:$0x3F9D] =	sst s1;
	(tag) =	ssettag s2;
	_ =	strace s9  }
0x27: {  	s1 =	sld [smem:$0x3FAD]  }
0x28: {  	s2 =	sld [smem:$0x3FAE]  }
0x29: {  	s4 =	sld [smem:$0x3FB0]  }
0x2a: {  	p0 =	seq.s32 s5, $0x0;
	s5 =	sld [smem:$0x3FB1]  }
0x2b: {  	s6 =	sld [smem:$0x3FB2]  }
0x2c: {  	s7 =	sld [smem:$0x3FB3]  }
0x2d: {  	s3 =	simm.s32 $0x108;
	s8 =	sld [smem:$0x3FB4]  }
0x2e: {  	s3 =	simm.s32 @!p0 $0x1082;
	s9 =	sld [smem:$0x3FB5]  }
0x2f: {  	lr =	sadd.s32 s0, s3;
	s0 =	sld [smem:$0x3FAC]  }
0x30: {  	s3 =	sld [smem:$0x3FAF]  }
0x31: {  	[smem:$0x3FB8] =	sst s10  }
0x32: {  	s10 =	sld [smem:$0x3FB6];
	_ =	sdelay $0x3  }
0x33: {  	p0 =	seq.s32 s10, $0x1;
	s10 =	sld [smem:$0x3FB8];
	_ =	sdelay $0x3  }
0x34: {  	[smem:$0x3FB8] =	sst s10  }
0x35: {  	s10 =	sld [smem:$0x3FB7];
	_ =	sdelay $0x3  }
0x36: {  	p1 =	seq.s32 s10, $0x1;
	s10 =	sld [smem:$0x3FB8];
	_ =	sdelay $0x3  }
0x37: {  	[smem:$0x3FB8] =	sst s10  }
0x38: {  	s10 =	sld [smem:$0x3FB9]  }
0x39: {  	_ = 	snop;
	(pc) =	sbr.ind lr, $3  }
0x3a: {  	_ = 	snop  }
0x3b: {  	_ = 	snop  }
0x3c: {  	p2 =	seq.s32 s10, $0x1;
	s10 =	sld [smem:$0x3FB8]  }
0x3d: {  	_ =	shalt  }
0x3e: {  	_ =	shalt  }
0x3f: {  	_ =	shalt  }
0x40: {  	_ =	shalt  }
0x41: {  	_ =	shalt  }
0x42: {  	_ =	shalt  }
0x43: {  	_ =	shalt  }
0x44: {  	_ =	shalt  }
0x45: {  	_ =	shalt  }
0x46: {  	_ =	shalt  }
0x47: {  	_ =	shalt  }
0x48: {  	_ =	shalt  }
0x49: {  	_ =	shalt  }
0x4a: {  	_ =	shalt  }
0x4b: {  	_ =	shalt  }
0x4c: {  	_ =	shalt  }
0x4d: {  	_ =	shalt  }
0x4e: {  	_ =	shalt  }
0x4f: {  	_ =	shalt  }
0x50: {  	_ =	shalt  }
0x51: {  	_ =	shalt  }
0x52: {  	_ =	shalt  }
0x53: {  	_ =	shalt  }
0x54: {  	_ =	shalt  }
0x55: {  	_ =	shalt  }
0x56: {  	_ =	shalt  }
0x57: {  	_ =	shalt  }
0x58: {  	_ =	shalt  }
0x59: {  	_ =	shalt  }
0x5a: {  	_ =	shalt  }
0x5b: {  	_ =	shalt  }
0x5c: {  	_ =	shalt  }
0x5d: {  	_ =	shalt  }
0x5e: {  	_ =	shalt  }
0x5f: {  	_ =	shalt  }
0x60: {  	_ =	shalt  }
0x61: {  	_ =	shalt  }
0x62: {  	_ =	shalt  }
0x63: {  	_ =	shalt  }
0x64: {  	_ =	shalt  }
0x65: {  	_ =	shalt  }
0x66: {  	_ =	shalt  }
0x67: {  	_ =	shalt  }
0x68: {  	_ =	shalt  }
0x69: {  	_ =	shalt  }
0x6a: {  	_ =	shalt  }
0x6b: {  	_ =	shalt  }
0x6c: {  	_ =	shalt  }
0x6d: {  	_ =	shalt  }
0x6e: {  	_ =	shalt  }
0x6f: {  	_ =	shalt  }
0x70: {  	_ =	shalt  }
0x71: {  	_ =	shalt  }
0x72: {  	_ =	shalt  }
0x73: {  	_ =	shalt  }
0x74: {  	_ =	shalt  }
0x75: {  	_ =	shalt  }
0x76: {  	_ =	shalt  }
0x77: {  	_ =	shalt  }
0x78: {  	_ =	shalt  }
0x79: {  	_ =	shalt  }
0x7a: {  	_ =	shalt  }
0x7b: {  	_ =	shalt  }
0x7c: {  	_ =	shalt  }
0x7d: {  	_ =	shalt  }
0x7e: {  	_ =	shalt  }
0x7f: {  	_ =	shalt  }
0x80: {  	_ =	shalt  }
0x81: {  	_ =	shalt  }
0x82: {  	_ =	shalt  }
0x83: {  	_ =	shalt  }
0x84: {  	_ =	shalt  }
0x85: {  	_ =	shalt  }
0x86: {  	_ =	shalt  }
0x87: {  	_ =	shalt  }
.Lfunc_end0:
.L_simem_size_0:
called_computation_lowered:
.L_overlay_start_0:
0x88: {  	s2 =	sld [smem:$0x3FD9]  }
0x89: {  	s3 =	sld [smem:$0x3FFE];
	_ =	sdelay $0x1  }
0x8a: {  	s1 =	srdreg.scid  }
0x8b: {  	s0 =	sand.u32 $0x1, s1  }
0x8c: {  	s17 =	sshll.u32 s0, $0xA;
	s2 =	sadd.s32 s3, s2  }
0x8d: {  	s2 =	sadd.s32 s2, s17  }
0x8e: {  	[smem:$0x3FC4] =	sst s2  }
0x8f: {  	_ = 	snop  }
0x90: {  	s2 =	sld [smem:$0x3FD0];
	(tm) =	ssettm $0x1  }
0x91: {  	s18 =	sld [smem:$0x3FFB];
	_ =	sdelay $0x3  }
0x92: {  	_ =	strace s18  }
0x93: {  	s3 =	sld [smem:$0x3FFC];
	_ =	sdelay $0x3  }
0x94: {  	_ =	strace s3  }
0x95: {  	s3 =	sld [smem:$0x3FFD];
	_ =	sdelay $0x3  }
0x96: {  	_ =	strace s3  }
0x97: {  	_ =	strace $0x8FFFFFFF  }
0x98: {  	s19 =	sld [smem:$0x3FDB];
	_ =	sdelay $0x1  }
0x99: {  	s4 =	simm.s32 $_scs_section_size  }
0x9a: {  	s5 =	simm.s32 $_size__tile_overlayer_lowered;
	s6 =	simm.s32 $_tile_overlayer_lowered  }
0x9b: {  	s22 =	simm.s32 $0x1BFF;
	s21 =	sshll.u32 s6, $0x1;
	s3 =	sadd.s32 s4, s19  }
0x9c: {  	s7 =	simm.s32 $0x0;
	s20 =	sshll.u32 s5, $0x1;
	s5 =	sadd.s32 s21, s3  }
0x9d: {  	[timem:s7], [sflag:s22] =	dma.local [hbm:s5], s20  }
0x9e: {  	_ =	swait.ge [sflag:s22], s20  }
0x9f: {  	s4 =	ssub.s32 $0x0, s20;
	[sflag:s22] =	ssyncset.done $0x0  }
0xa0: {  	[sflag:s22] =	ssyncadd.s32 s4;
	_ =	sdelay $0x1  }
0xa1: {  	s23 =	simm.s32 $0x1B8B  }
0xa2: {  	_ =	swait.ge [sflag:s23], $0x1  }
0xa3: {  	[sflag:s23] =	ssyncset.done $0x0  }
0xa4: {  	s25 =	simm.s32 $0x1B8E;
	s24 =	sld [smem:$0x3FFE];
	[sflag:s23] =	ssyncadd.s32 $0xFFFFFFFF  }
0xa5: {  	s26 =	simm.s32 $execute0_lowered;
	[smem:$0x3FD2] =	sst s25  }
0xa6: {  	s5 =	sshll.u32 s26, $0x1;
	_ =	strace $0x80000046;
	[dreg:$0x1] =	wrdreg $0xFFFFFFFF  }
0xa7: {  	s28 =	simm.s32 $_size_execute0_lowered;
	s3 =	sadd.s32 s3, s5;
	[dreg:$0x0] =	wrdreg $0x0  }
0xa8: {  	s5 =	sshll.u32 s28, $0x1;
	[dreg:$0x2] =	wrdreg s3  }
0xa9: {  	[dreg:$0x3] =	wrdreg s5  }
0xaa: {  	[dreg:$0x4] =	wrdreg $0xC0  }
0xab: {  	_ =	task [dreg:s7], $0x5FFFF  }
0xac: {  	[dreg:$0x1] =	wrdreg $0xFFFFFFFF  }
0xad: {  	[dreg:$0x0] =	wrdreg $0x60  }
0xae: {  	[dreg:$0x2] =	wrdreg s24  }
0xaf: {  	[dreg:$0x3] =	wrdreg s2  }
0xb0: {  	[dreg:$0x4] =	wrdreg $0x9  }
0xb1: {  	_ =	task.clear_ibuf [dreg:s7], $0x5FFFF;
	_ =	strace $0x90000046  }
0xb2: {  	s29 =	simm.s32 $0x9;
	_ =	strace $0x80000048  }
0xb3: {  	_ =	swait.ge [sflag:s29], $0x1  }
0xb4: {  	[sflag:s29] =	ssyncadd.s32 $0xFFFFFFFF  }
0xb5: {  	_ =	strace $0x90000048  }
0xb6: {  	_ =	sfence  }
0xb7: {  	s30 =	sld [smem:$0x0];
	_ =	sdelay $0x2  }
0xb8: {  	s31 =	sshll.u32 s1, $0xD;
	s1 =	sshrl.u32 s1, $0x2  }
0xb9: {  	s3 =	sand.u32 $0x4000, s31;
	s1 =	sadd.s32 s1, s30  }
0xba: {  	s0 =	sor.u32 s3, s0;
	s1 =	sshll.u32 s1, $0x11  }
0xbb: {  	s0 =	sor.u32 s1, s0  }
0xbc: {  	s0 =	sadd.s32 $0x8F2B, s0  }
0xbd: {  	[sflag:s0] =	ssyncadd.remote.s32 $0x1  }
0xbe: {  	_ =	sfence.sel $0xFFFF  }
0xbf: {  	[dreg:$0x0] =	wrdreg $0xFFFFFFFF;
	(pc) =	sbr.abs _section_cstart, $3  }
0xc0: {  	[dreg:$0x1] =	wrdreg $0xFFFFFFFF  }
0xc1: {  	_ =	task.clear_ibuf [dreg:s7], $0x2FFFF;
	_ =	strace $0x9FFFFFFF  }
0xc2: {  	(tm) =	ssettm $0x7FFFFFFF  }
0xc3: {  	_ =	shalt  }
tec
execute0_lowered:
.L_overlay_start_1:
0x0: {  	(tag) =	ssettag $0x1  }
0x1: {  	s0 =	rddreg [dreg:$0x0]  }
0x2: {  	s1 =	rddreg [dreg:$0x1];
	s3 =	srdreg.scid  }
0x3: {  	s5 =	stileid.u32;
	s2 =	simm.s32 $0x0;
	s14 =	simm.s32 $0x5  }
0x4: {  	s16 =	simm.s32 $0x40;
	s17 =	simm.s32 $0xD000;
	s18 =	simm.s32 $0x11000  }
0x5: {  	s20 =	simm.s32 $0xF000;
	s22 =	simm.s32 $0x13000;
	s23 =	simm.s32 $0x1  }
0x6: {  	s24 =	simm.s32 $0x15000;
	s4 =	sand.u32 $0x1, s3;
	s25 =	sshll.u32 s5, $0x1  }
0x7: {  	s28 =	simm.s32 $0x2;
	s29 =	simm.s32 $0x17000;
	s5 =	sor.u32 s4, s25  }
0x8: {  	s19 =	simm.s32 $0x0;
	[smem:$0x7FF] =	sst s2;
	s6 =	smul.u32 $0xD00, s5  }
0x9: {  	s3 =	sadd.s32 $0x1E9F000, s0;
	s7 =	ssub.s32 $0x2, s4;
	s8 =	smul.u32 $0x34000, s5  }
0xa: {  	_ =	strace $0x80000047;
	s10 =	sshrl.u32 s7, $0x1;
	s11 =	smul.u32 $0x1A0000, s5  }
0xb: {  	s4 =	sadd.s32 $0x800, s0;
	s5 =	smul.u32 $0xD0, s5;
	s26 =	ssub.s32 s7, s10  }
0xc: {  	s9 =	sadd.s32 s6, s0;
	s1 =	sadd.s32 s1, s6;
	s7 =	sadd.s32 s4, s8  }
0xd: {  	s30 =	sshrl.u32 s11, $0x3;
	s10 =	sor.u32 $0x1, s5;
	s13 =	smax.u32 s26, $0x1  }
0xe: {  	s0 =	simm.s32 $0x3;
	[dreg:$0x3] =	wrdreg s1;
	s31 =	sadd.s32 $0x1E85000, s9  }
0xf: {  	s9 =	sadd.s32 $0x400, s7;
	s1 =	sadd.s32 s4, s30;
	[dreg:$0x4] =	wrdreg s31  }
0x10: {  	s11 =	sadd.s32 $0x33800, s1;
	s12 =	sadd.s32 $0x33C00, s1;
	s1 =	simm.s32 $0x4  }
.LBB2_1:
0x11: {  	s6 =	rddreg [dreg:$0x3]  }
0x12: {  	[tilespmem:s2], [sflag:$0x5] =	stream.linear.gather [hbm4b:s6+s2], $0x6800, $0x38;
	[tilespmem:$0x19000] =	vst v63  }
0x13: {  	_ =	swait.ge [sflag:s14], $0x6800  }
0x14: {  	[sflag:s14] =	ssyncset.done $0x0  }
0x15: {  	s8 =	simm.s32 $0x6800;
	s26 =	rddreg [dreg:$0x4];
	[sflag:s14] =	ssyncadd.s32 $0xFFFF9800  }
0x16: {  	[tilespmem:s8], [sflag:$0x5] =	stream.linear.gather [hbm4b:s26+s2], $0x6800, $0x38;
	[tilespmem:$0x19000] =	vst v63  }
0x17: {  	_ =	swait.ge [sflag:s14], $0x6800  }
0x18: {  	[sflag:s14] =	ssyncset.done $0x0  }
0x19: {  	[sflag:s14] =	ssyncadd.s32 $0xFFFF9800  }
0x1a: {  	[tilespmem:s17], [sflag:$0x1] =	stream.indirect.gather [hbm4b:s3+s16], $0x80, s2, s16, $0xb8;
	[tilespmem:$0x19000] =	vst v63  }
0x1b: {  	_ = 	snop  }
0x1c: {  	[tilespmem:s18], [sflag:$0x1] =	stream.indirect.gather [hbm4b:s3+s16], $0x80, s8, s16, $0xb8;
	[tilespmem:$0x19000] =	vst v63  }
0x1d: {  	s30 =	simm.s32 $0x80  }
0x1e: {  	[tilespmem:s20], [sflag:$0x2] =	stream.indirect.gather [hbm4b:s3+s16], $0x80, s30, s16, $0xb8;
	[tilespmem:$0x19000] =	vst v63  }
0x1f: {  	s31 =	simm.s32 $0x6880  }
0x20: {  	[tilespmem:s22], [sflag:$0x2] =	stream.indirect.gather [hbm4b:s3+s16], $0x80, s31, s16, $0xb8;
	[tilespmem:$0x19000] =	vst v63  }
0x21: {  	_ =	swait.ge [sflag:s23], $0x2000  }
0x22: {  	[sflag:s23] =	ssyncset.done $0x0  }
0x23: {  	[sflag:s23] =	ssyncadd.s32 $0xFFFFE000  }
0x24: {  	_ =	swait.ge [sflag:s23], $0x2000  }
0x25: {  	[sflag:s23] =	ssyncset.done $0x0  }
0x26: {  	s25 =	simm.s32 $0xD100;
	[sflag:s23] =	ssyncadd.s32 $0xFFFFE000  }
0x27: {  	s21 =	simm.s32 $0x11120;
	v0 =	vld [tilespmem:s25+$0xFFFFFF00]  }
0x28: {  	v1 =	vld [tilespmem:s21+$0xFFFFFF00];
	_ =	sdelay $0x4  }
0x29: {  	v0 =	vadd.f32 v1, v0  }
0x2a: {  	s15 =	simm.s32 $0x15100  }
0x2b: {  	[tilespmem:s15+$0xFFFFFF00] =	vst v0  }
0x2c: {  	v0 =	vld [tilespmem:s21+$0xFFFFFF10]  }
0x2d: {  	v1 =	vld [tilespmem:s25+$0xFFFFFF10];
	_ =	sdelay $0x4  }
0x2e: {  	v0 =	vadd.f32 v0, v1;
	_ =	sdelay $0x1  }
0x2f: {  	[tilespmem:s15+$0xFFFFFF10] =	vst v0  }
0x30: {  	v0 =	vld [tilespmem:s25+$0xFFFFFF80]  }
0x31: {  	v1 =	vld [tilespmem:s21+$0xFFFFFF80];
	_ =	sdelay $0x4  }
0x32: {  	v0 =	vadd.f32 v1, v0;
	_ =	sdelay $0x1  }
0x33: {  	[tilespmem:s15+$0xFFFFFF80] =	vst v0  }
0x34: {  	v0 =	vld [tilespmem:s25+$0xFFFFFF90]  }
0x35: {  	v1 =	vld [tilespmem:s21+$0xFFFFFF90];
	_ =	sdelay $0x4  }
0x36: {  	v0 =	vadd.f32 v1, v0;
	_ =	sdelay $0x1  }
0x37: {  	[tilespmem:s15+$0xFFFFFF90] =	vst v0  }
0x38: {  	v0 =	vld [tilespmem:s25+$0x0]  }
0x39: {  	v1 =	vld [tilespmem:s21+$0x0];
	_ =	sdelay $0x4  }
0x3a: {  	v0 =	vadd.f32 v1, v0;
	_ =	sdelay $0x1  }
0x3b: {  	[tilespmem:s15+$0x0] =	vst v0  }
0x3c: {  	v0 =	vld [tilespmem:s25+$0x10]  }
0x3d: {  	v1 =	vld [tilespmem:s21+$0x10];
	_ =	sdelay $0x4  }
0x3e: {  	v0 =	vadd.f32 v1, v0;
	_ =	sdelay $0x1  }
0x3f: {  	[tilespmem:s15+$0x10] =	vst v0  }
0x40: {  	v0 =	vld [tilespmem:s25+$0x80]  }
0x41: {  	v1 =	vld [tilespmem:s21+$0x80];
	_ =	sdelay $0x4  }
0x42: {  	v0 =	vadd.f32 v1, v0;
	_ =	sdelay $0x1  }
0x43: {  	[tilespmem:s15+$0x80] =	vst v0  }
0x44: {  	s6 =	simm.s32 $0x15300;
	s26 =	simm.s32 $0x0;
	v0 =	vld [tilespmem:s25+$0x90]  }
.LBB2_2:
0x45: {  	s26 =	sadd.s32 $0x4, s26;
	v1 =	vld [tilespmem:s21+$0x90];
	s21 =	sadd.s32 $0x200, s21;
	s25 =	sadd.s32 $0x200, s25  }
0x46: {  	p0 =	slt.u32 s26, $0x3C;
	_ =	sdelay $0x3  }
0x47: {  	v0 =	vadd.f32 v1, v0;
	_ =	sdelay $0x1  }
0x48: {  	[tilespmem:s15+$0x90] =	vst v0;
	s15 =	smov.u32 s6  }
0x49: {  	v0 =	vld [tilespmem:s25+$0xFFFFFF00]  }
0x4a: {  	v1 =	vld [tilespmem:s21+$0xFFFFFF00];
	_ =	sdelay $0x4  }
0x4b: {  	v0 =	vadd.f32 v1, v0;
	_ =	sdelay $0x1  }
0x4c: {  	[tilespmem:s6+$0xFFFFFF00] =	vst v0  }
0x4d: {  	v0 =	vld [tilespmem:s21+$0xFFFFFF10]  }
0x4e: {  	v1 =	vld [tilespmem:s25+$0xFFFFFF10];
	_ =	sdelay $0x4  }
0x4f: {  	v0 =	vadd.f32 v0, v1;
	_ =	sdelay $0x1  }
0x50: {  	[tilespmem:s6+$0xFFFFFF10] =	vst v0  }
0x51: {  	v0 =	vld [tilespmem:s25+$0xFFFFFF80]  }
0x52: {  	v1 =	vld [tilespmem:s21+$0xFFFFFF80];
	_ =	sdelay $0x4  }
0x53: {  	v0 =	vadd.f32 v1, v0;
	_ =	sdelay $0x1  }
0x54: {  	[tilespmem:s6+$0xFFFFFF80] =	vst v0  }
0x55: {  	v0 =	vld [tilespmem:s25+$0xFFFFFF90]  }
0x56: {  	v1 =	vld [tilespmem:s21+$0xFFFFFF90];
	_ =	sdelay $0x4  }
0x57: {  	v0 =	vadd.f32 v1, v0;
	_ =	sdelay $0x1  }
0x58: {  	[tilespmem:s6+$0xFFFFFF90] =	vst v0  }
0x59: {  	v0 =	vld [tilespmem:s25+$0x0]  }
0x5a: {  	v1 =	vld [tilespmem:s21+$0x0];
	_ =	sdelay $0x4  }
0x5b: {  	v0 =	vadd.f32 v1, v0;
	_ =	sdelay $0x1  }
0x5c: {  	[tilespmem:s6+$0x0] =	vst v0  }
0x5d: {  	v0 =	vld [tilespmem:s25+$0x10]  }
0x5e: {  	v1 =	vld [tilespmem:s21+$0x10];
	_ =	sdelay $0x4  }
0x5f: {  	v0 =	vadd.f32 v1, v0;
	_ =	sdelay $0x1  }
0x60: {  	[tilespmem:s6+$0x10] =	vst v0  }
0x61: {  	v0 =	vld [tilespmem:s25+$0x80]  }
0x62: {  	v1 =	vld [tilespmem:s21+$0x80];
	_ =	sdelay $0x3  }
.Ltmp0:
0x63: {  	(pc) =	sbr.rel @p0 .LBB2_2-.Ltmp0, $3  }
0x64: {  	v0 =	vadd.f32 v1, v0;
	_ =	sdelay $0x1  }
0x65: {  	[tilespmem:s6+$0x80] =	vst v0  }
0x66: {  	s6 =	sadd.s32 $0x200, s6;
	v0 =	vld [tilespmem:s25+$0x90]  }
0x67: {  	v1 =	vld [tilespmem:s21+$0x90];
	_ =	sdelay $0x4  }
0x68: {  	v0 =	vadd.f32 v1, v0;
	_ =	sdelay $0x1  }
0x69: {  	[tilespmem:s15+$0x90] =	vst v0  }
0x6a: {  	[hbm4b:s7+s2] =	stream.linear.scatter [tilespmem:s24], [sflag:$0x3], $0x2000, $0x38;
	[tilespmem:$0x19000] =	vst v63  }
0x6b: {  	s6 =	simm.s32 $0x100  }
0x6c: {  	[tilespmem:s17], [sflag:$0x1] =	stream.indirect.gather [hbm4b:s3+s16], $0x80, s6, s16, $0xb8;
	[tilespmem:$0x19000] =	vst v63  }
0x6d: {  	s31 =	simm.s32 $0x6900  }
0x6e: {  	[tilespmem:s18], [sflag:$0x1] =	stream.indirect.gather [hbm4b:s3+s16], $0x80, s31, s16, $0xb8;
	[tilespmem:$0x19000] =	vst v63  }
0x6f: {  	_ =	swait.ge [sflag:s28], $0x2000  }
0x70: {  	[sflag:s28] =	ssyncset.done $0x0  }
0x71: {  	[sflag:s28] =	ssyncadd.s32 $0xFFFFE000  }
0x72: {  	_ =	swait.ge [sflag:s28], $0x2000  }
0x73: {  	[sflag:s28] =	ssyncset.done $0x0  }
0x74: {  	s25 =	simm.s32 $0xF100;
	[sflag:s28] =	ssyncadd.s32 $0xFFFFE000  }
0x75: {  	s21 =	simm.s32 $0x13120;
	v0 =	vld [tilespmem:s25+$0xFFFFFF00]  }
0x76: {  	v1 =	vld [tilespmem:s21+$0xFFFFFF00];
	_ =	sdelay $0x4  }
0x77: {  	v0 =	vadd.f32 v1, v0  }
0x78: {  	s15 =	simm.s32 $0x17100  }
0x79: {  	[tilespmem:s15+$0xFFFFFF00] =	vst v0  }
0x7a: {  	v0 =	vld [tilespmem:s21+$0xFFFFFF10]  }
0x7b: {  	v1 =	vld [tilespmem:s25+$0xFFFFFF10];
	_ =	sdelay $0x4  }
0x7c: {  	v0 =	vadd.f32 v0, v1;
	_ =	sdelay $0x1  }
0x7d: {  	[tilespmem:s15+$0xFFFFFF10] =	vst v0  }
0x7e: {  	v0 =	vld [tilespmem:s25+$0xFFFFFF80]  }
0x7f: {  	v1 =	vld [tilespmem:s21+$0xFFFFFF80];
	_ =	sdelay $0x4  }
0x80: {  	v0 =	vadd.f32 v1, v0;
	_ =	sdelay $0x1  }
0x81: {  	[tilespmem:s15+$0xFFFFFF80] =	vst v0  }
0x82: {  	v0 =	vld [tilespmem:s25+$0xFFFFFF90]  }
0x83: {  	v1 =	vld [tilespmem:s21+$0xFFFFFF90];
	_ =	sdelay $0x4  }
0x84: {  	v0 =	vadd.f32 v1, v0;
	_ =	sdelay $0x1  }
0x85: {  	[tilespmem:s15+$0xFFFFFF90] =	vst v0  }
0x86: {  	v0 =	vld [tilespmem:s25+$0x0]  }
0x87: {  	v1 =	vld [tilespmem:s21+$0x0];
	_ =	sdelay $0x4  }
0x88: {  	v0 =	vadd.f32 v1, v0;
	_ =	sdelay $0x1  }
0x89: {  	[tilespmem:s15+$0x0] =	vst v0  }
0x8a: {  	v0 =	vld [tilespmem:s25+$0x10]  }
0x8b: {  	v1 =	vld [tilespmem:s21+$0x10];
	_ =	sdelay $0x4  }
0x8c: {  	v0 =	vadd.f32 v1, v0;
	_ =	sdelay $0x1  }
0x8d: {  	[tilespmem:s15+$0x10] =	vst v0  }
0x8e: {  	v0 =	vld [tilespmem:s25+$0x80]  }
0x8f: {  	v1 =	vld [tilespmem:s21+$0x80];
	_ =	sdelay $0x4  }
0x90: {  	v0 =	vadd.f32 v1, v0;
	_ =	sdelay $0x1  }
0x91: {  	[tilespmem:s15+$0x80] =	vst v0  }
0x92: {  	s26 =	simm.s32 $0x0;
	s6 =	simm.s32 $0x17300;
	v0 =	vld [tilespmem:s25+$0x90]  }
.LBB2_4:
0x93: {  	s26 =	sadd.s32 $0x4, s26;
	v1 =	vld [tilespmem:s21+$0x90];
	s21 =	sadd.s32 $0x200, s21;
	s25 =	sadd.s32 $0x200, s25  }
0x94: {  	p0 =	slt.u32 s26, $0x3C;
	_ =	sdelay $0x3  }
0x95: {  	v0 =	vadd.f32 v1, v0;
	_ =	sdelay $0x1  }
0x96: {  	[tilespmem:s15+$0x90] =	vst v0;
	s15 =	smov.u32 s6  }
0x97: {  	v0 =	vld [tilespmem:s25+$0xFFFFFF00]  }
0x98: {  	v1 =	vld [tilespmem:s21+$0xFFFFFF00];
	_ =	sdelay $0x4  }
0x99: {  	v0 =	vadd.f32 v1, v0;
	_ =	sdelay $0x1  }
0x9a: {  	[tilespmem:s6+$0xFFFFFF00] =	vst v0  }
0x9b: {  	v0 =	vld [tilespmem:s21+$0xFFFFFF10]  }
0x9c: {  	v1 =	vld [tilespmem:s25+$0xFFFFFF10];
	_ =	sdelay $0x4  }
0x9d: {  	v0 =	vadd.f32 v0, v1;
	_ =	sdelay $0x1  }
0x9e: {  	[tilespmem:s6+$0xFFFFFF10] =	vst v0  }
0x9f: {  	v0 =	vld [tilespmem:s25+$0xFFFFFF80]  }
0xa0: {  	v1 =	vld [tilespmem:s21+$0xFFFFFF80];
	_ =	sdelay $0x4  }
0xa1: {  	v0 =	vadd.f32 v1, v0;
	_ =	sdelay $0x1  }
0xa2: {  	[tilespmem:s6+$0xFFFFFF80] =	vst v0  }
0xa3: {  	v0 =	vld [tilespmem:s25+$0xFFFFFF90]  }
0xa4: {  	v1 =	vld [tilespmem:s21+$0xFFFFFF90];
	_ =	sdelay $0x4  }
0xa5: {  	v0 =	vadd.f32 v1, v0;
	_ =	sdelay $0x1  }
0xa6: {  	[tilespmem:s6+$0xFFFFFF90] =	vst v0  }
0xa7: {  	v0 =	vld [tilespmem:s25+$0x0]  }
0xa8: {  	v1 =	vld [tilespmem:s21+$0x0];
	_ =	sdelay $0x4  }
0xa9: {  	v0 =	vadd.f32 v1, v0;
	_ =	sdelay $0x1  }
0xaa: {  	[tilespmem:s6+$0x0] =	vst v0  }
0xab: {  	v0 =	vld [tilespmem:s25+$0x10]  }
0xac: {  	v1 =	vld [tilespmem:s21+$0x10];
	_ =	sdelay $0x4  }
0xad: {  	v0 =	vadd.f32 v1, v0;
	_ =	sdelay $0x1  }
0xae: {  	[tilespmem:s6+$0x10] =	vst v0  }
0xaf: {  	v0 =	vld [tilespmem:s25+$0x80]  }
0xb0: {  	v1 =	vld [tilespmem:s21+$0x80];
	_ =	sdelay $0x3  }
.Ltmp1:
0xb1: {  	(pc) =	sbr.rel @p0 .LBB2_4-.Ltmp1, $3  }
0xb2: {  	v0 =	vadd.f32 v1, v0;
	_ =	sdelay $0x1  }
0xb3: {  	[tilespmem:s6+$0x80] =	vst v0  }
0xb4: {  	s6 =	sadd.s32 $0x200, s6;
	v0 =	vld [tilespmem:s25+$0x90]  }
0xb5: {  	v1 =	vld [tilespmem:s21+$0x90];
	_ =	sdelay $0x4  }
0xb6: {  	v0 =	vadd.f32 v1, v0;
	_ =	sdelay $0x1  }
0xb7: {  	[tilespmem:s15+$0x90] =	vst v0  }
0xb8: {  	[hbm4b:s9+s2] =	stream.linear.scatter [tilespmem:s29], [sflag:$0x4], $0x2000, $0x38;
	[tilespmem:$0x19000] =	vst v63  }
0xb9: {  	s6 =	simm.s32 $0x180  }
0xba: {  	[tilespmem:s20], [sflag:$0x2] =	stream.indirect.gather [hbm4b:s3+s16], $0x80, s6, s16, $0xb8;
	[tilespmem:$0x19000] =	vst v63  }
0xbb: {  	s31 =	simm.s32 $0x6980;
	s21 =	simm.s32 $0x1  }
0xbc: {  	[tilespmem:s22], [sflag:$0x2] =	stream.indirect.gather [hbm4b:s3+s16], $0x80, s31, s16, $0xb8;
	[tilespmem:$0x19000] =	vst v63  }
.LBB2_6:
0xbd: {  	_ =	swait.ge [sflag:s23], $0x2000  }
0xbe: {  	[sflag:s23] =	ssyncset.done $0x0  }
0xbf: {  	[sflag:s23] =	ssyncadd.s32 $0xFFFFE000  }
0xc0: {  	_ =	swait.ge [sflag:s23], $0x2000  }
0xc1: {  	[sflag:s23] =	ssyncset.done $0x0  }
0xc2: {  	[sflag:s23] =	ssyncadd.s32 $0xFFFFE000  }
0xc3: {  	_ =	swait.ge [sflag:s0], $0x2000  }
0xc4: {  	[sflag:s0] =	ssyncset.done $0x0  }
0xc5: {  	s30 =	simm.s32 $0xD100;
	[sflag:s0] =	ssyncadd.s32 $0xFFFFE000  }
0xc6: {  	s26 =	simm.s32 $0x11120;
	v0 =	vld [tilespmem:s30+$0xFFFFFF00]  }
0xc7: {  	v1 =	vld [tilespmem:s26+$0xFFFFFF00];
	_ =	sdelay $0x4  }
0xc8: {  	v0 =	vadd.f32 v1, v0  }
0xc9: {  	s25 =	simm.s32 $0x15100  }
0xca: {  	[tilespmem:s25+$0xFFFFFF00] =	vst v0  }
0xcb: {  	v0 =	vld [tilespmem:s26+$0xFFFFFF10]  }
0xcc: {  	v1 =	vld [tilespmem:s30+$0xFFFFFF10];
	_ =	sdelay $0x4  }
0xcd: {  	v0 =	vadd.f32 v0, v1;
	_ =	sdelay $0x1  }
0xce: {  	[tilespmem:s25+$0xFFFFFF10] =	vst v0  }
0xcf: {  	v0 =	vld [tilespmem:s30+$0xFFFFFF80]  }
0xd0: {  	v1 =	vld [tilespmem:s26+$0xFFFFFF80];
	_ =	sdelay $0x4  }
0xd1: {  	v0 =	vadd.f32 v1, v0;
	_ =	sdelay $0x1  }
0xd2: {  	[tilespmem:s25+$0xFFFFFF80] =	vst v0  }
0xd3: {  	v0 =	vld [tilespmem:s30+$0xFFFFFF90]  }
0xd4: {  	v1 =	vld [tilespmem:s26+$0xFFFFFF90];
	_ =	sdelay $0x4  }
0xd5: {  	v0 =	vadd.f32 v1, v0;
	_ =	sdelay $0x1  }
0xd6: {  	[tilespmem:s25+$0xFFFFFF90] =	vst v0  }
0xd7: {  	v0 =	vld [tilespmem:s30+$0x0]  }
0xd8: {  	v1 =	vld [tilespmem:s26+$0x0];
	_ =	sdelay $0x4  }
0xd9: {  	v0 =	vadd.f32 v1, v0;
	_ =	sdelay $0x1  }
0xda: {  	[tilespmem:s25+$0x0] =	vst v0  }
0xdb: {  	v0 =	vld [tilespmem:s30+$0x10]  }
0xdc: {  	v1 =	vld [tilespmem:s26+$0x10];
	_ =	sdelay $0x4  }
0xdd: {  	v0 =	vadd.f32 v1, v0;
	_ =	sdelay $0x1  }
0xde: {  	[tilespmem:s25+$0x10] =	vst v0  }
0xdf: {  	v0 =	vld [tilespmem:s30+$0x80]  }
0xe0: {  	v1 =	vld [tilespmem:s26+$0x80];
	_ =	sdelay $0x4  }
0xe1: {  	v0 =	vadd.f32 v1, v0;
	_ =	sdelay $0x1  }
0xe2: {  	[tilespmem:s25+$0x80] =	vst v0  }
0xe3: {  	s15 =	simm.s32 $0x0;
	s6 =	simm.s32 $0x15300;
	v0 =	vld [tilespmem:s30+$0x90]  }
.LBB2_7:
0xe4: {  	s15 =	sadd.s32 $0x4, s15;
	v1 =	vld [tilespmem:s26+$0x90];
	s26 =	sadd.s32 $0x200, s26;
	s30 =	sadd.s32 $0x200, s30  }
0xe5: {  	p0 =	slt.u32 s15, $0x3C;
	_ =	sdelay $0x3  }
0xe6: {  	v0 =	vadd.f32 v1, v0;
	_ =	sdelay $0x1  }
0xe7: {  	[tilespmem:s25+$0x90] =	vst v0;
	s25 =	smov.u32 s6  }
0xe8: {  	v0 =	vld [tilespmem:s30+$0xFFFFFF00]  }
0xe9: {  	v1 =	vld [tilespmem:s26+$0xFFFFFF00];
	_ =	sdelay $0x4  }
0xea: {  	v0 =	vadd.f32 v1, v0;
	_ =	sdelay $0x1  }
0xeb: {  	[tilespmem:s6+$0xFFFFFF00] =	vst v0  }
0xec: {  	v0 =	vld [tilespmem:s26+$0xFFFFFF10]  }
0xed: {  	v1 =	vld [tilespmem:s30+$0xFFFFFF10];
	_ =	sdelay $0x4  }
0xee: {  	v0 =	vadd.f32 v0, v1;
	_ =	sdelay $0x1  }
0xef: {  	[tilespmem:s6+$0xFFFFFF10] =	vst v0  }
0xf0: {  	v0 =	vld [tilespmem:s30+$0xFFFFFF80]  }
0xf1: {  	v1 =	vld [tilespmem:s26+$0xFFFFFF80];
	_ =	sdelay $0x4  }
0xf2: {  	v0 =	vadd.f32 v1, v0;
	_ =	sdelay $0x1  }
0xf3: {  	[tilespmem:s6+$0xFFFFFF80] =	vst v0  }
0xf4: {  	v0 =	vld [tilespmem:s30+$0xFFFFFF90]  }
0xf5: {  	v1 =	vld [tilespmem:s26+$0xFFFFFF90];
	_ =	sdelay $0x4  }
0xf6: {  	v0 =	vadd.f32 v1, v0;
	_ =	sdelay $0x1  }
0xf7: {  	[tilespmem:s6+$0xFFFFFF90] =	vst v0  }
0xf8: {  	v0 =	vld [tilespmem:s30+$0x0]  }
0xf9: {  	v1 =	vld [tilespmem:s26+$0x0];
	_ =	sdelay $0x4  }
0xfa: {  	v0 =	vadd.f32 v1, v0;
	_ =	sdelay $0x1  }
0xfb: {  	[tilespmem:s6+$0x0] =	vst v0  }
0xfc: {  	v0 =	vld [tilespmem:s30+$0x10]  }
0xfd: {  	v1 =	vld [tilespmem:s26+$0x10];
	_ =	sdelay $0x4  }
0xfe: {  	v0 =	vadd.f32 v1, v0;
	_ =	sdelay $0x1  }
0xff: {  	[tilespmem:s6+$0x10] =	vst v0  }
0x100: {  	v0 =	vld [tilespmem:s30+$0x80]  }
0x101: {  	v1 =	vld [tilespmem:s26+$0x80];
	_ =	sdelay $0x3  }
.Ltmp2:
0x102: {  	(pc) =	sbr.rel @p0 .LBB2_7-.Ltmp2, $3  }
0x103: {  	v0 =	vadd.f32 v1, v0;
	_ =	sdelay $0x1  }
0x104: {  	[tilespmem:s6+$0x80] =	vst v0  }
0x105: {  	s6 =	sadd.s32 $0x200, s6;
	v0 =	vld [tilespmem:s30+$0x90]  }
0x106: {  	v1 =	vld [tilespmem:s26+$0x90];
	_ =	sdelay $0x2  }
0x107: {  	s26 =	sshll.u32 s21, $0x1  }
0x108: {  	s6 =	sadd.s32 s5, s26  }
0x109: {  	s6 =	sshll.u32 s6, $0xA;
	v0 =	vadd.f32 v1, v0  }
0x10a: {  	s6 =	sand.u32 $0x1FFFF800, s6  }
0x10b: {  	s6 =	sadd.s32 s4, s6;
	[tilespmem:s25+$0x90] =	vst v0;
	s25 =	sshll.u32 s21, $0x8  }
0x10c: {  	[hbm4b:s6+s2] =	stream.linear.scatter [tilespmem:s24], [sflag:$0x3], $0x2000, $0x38;
	[tilespmem:$0x19000] =	vst v63  }
0x10d: {  	s8 =	sadd.s32 $0x100, s25  }
0x10e: {  	[tilespmem:s17], [sflag:$0x1] =	stream.indirect.gather [hbm4b:s3+s16], $0x80, s8, s16, $0xb8;
	[tilespmem:$0x19000] =	vst v63  }
0x10f: {  	s15 =	sadd.s32 $0x6900, s25  }
0x110: {  	[tilespmem:s18], [sflag:$0x1] =	stream.indirect.gather [hbm4b:s3+s16], $0x80, s15, s16, $0xb8;
	[tilespmem:$0x19000] =	vst v63  }
0x111: {  	_ =	swait.ge [sflag:s28], $0x2000  }
0x112: {  	[sflag:s28] =	ssyncset.done $0x0  }
0x113: {  	[sflag:s28] =	ssyncadd.s32 $0xFFFFE000  }
0x114: {  	_ =	swait.ge [sflag:s28], $0x2000  }
0x115: {  	[sflag:s28] =	ssyncset.done $0x0  }
0x116: {  	[sflag:s28] =	ssyncadd.s32 $0xFFFFE000  }
0x117: {  	_ =	swait.ge [sflag:s1], $0x2000  }
0x118: {  	[sflag:s1] =	ssyncset.done $0x0  }
0x119: {  	s15 =	simm.s32 $0xF100;
	[sflag:s1] =	ssyncadd.s32 $0xFFFFE000  }
0x11a: {  	s31 =	simm.s32 $0x13120;
	v0 =	vld [tilespmem:s15+$0xFFFFFF00]  }
0x11b: {  	v1 =	vld [tilespmem:s31+$0xFFFFFF00];
	_ =	sdelay $0x4  }
0x11c: {  	v0 =	vadd.f32 v1, v0  }
0x11d: {  	s30 =	simm.s32 $0x17100  }
0x11e: {  	[tilespmem:s30+$0xFFFFFF00] =	vst v0  }
0x11f: {  	v0 =	vld [tilespmem:s31+$0xFFFFFF10]  }
0x120: {  	v1 =	vld [tilespmem:s15+$0xFFFFFF10];
	_ =	sdelay $0x4  }
0x121: {  	v0 =	vadd.f32 v0, v1;
	_ =	sdelay $0x1  }
0x122: {  	[tilespmem:s30+$0xFFFFFF10] =	vst v0  }
0x123: {  	v0 =	vld [tilespmem:s15+$0xFFFFFF80]  }
0x124: {  	v1 =	vld [tilespmem:s31+$0xFFFFFF80];
	_ =	sdelay $0x4  }
0x125: {  	v0 =	vadd.f32 v1, v0;
	_ =	sdelay $0x1  }
0x126: {  	[tilespmem:s30+$0xFFFFFF80] =	vst v0  }
0x127: {  	v0 =	vld [tilespmem:s15+$0xFFFFFF90]  }
0x128: {  	v1 =	vld [tilespmem:s31+$0xFFFFFF90];
	_ =	sdelay $0x4  }
0x129: {  	v0 =	vadd.f32 v1, v0;
	_ =	sdelay $0x1  }
0x12a: {  	[tilespmem:s30+$0xFFFFFF90] =	vst v0  }
0x12b: {  	v0 =	vld [tilespmem:s15+$0x0]  }
0x12c: {  	v1 =	vld [tilespmem:s31+$0x0];
	_ =	sdelay $0x4  }
0x12d: {  	v0 =	vadd.f32 v1, v0;
	_ =	sdelay $0x1  }
0x12e: {  	[tilespmem:s30+$0x0] =	vst v0  }
0x12f: {  	v0 =	vld [tilespmem:s15+$0x10]  }
0x130: {  	v1 =	vld [tilespmem:s31+$0x10];
	_ =	sdelay $0x4  }
0x131: {  	v0 =	vadd.f32 v1, v0;
	_ =	sdelay $0x1  }
0x132: {  	[tilespmem:s30+$0x10] =	vst v0  }
0x133: {  	v0 =	vld [tilespmem:s15+$0x80]  }
0x134: {  	v1 =	vld [tilespmem:s31+$0x80];
	_ =	sdelay $0x4  }
0x135: {  	v0 =	vadd.f32 v1, v0;
	_ =	sdelay $0x1  }
0x136: {  	[tilespmem:s30+$0x80] =	vst v0  }
0x137: {  	s6 =	simm.s32 $0x0;
	s8 =	simm.s32 $0x17300;
	v0 =	vld [tilespmem:s15+$0x90]  }
.LBB2_9:
0x138: {  	s6 =	sadd.s32 $0x4, s6;
	v1 =	vld [tilespmem:s31+$0x90];
	s31 =	sadd.s32 $0x200, s31;
	s15 =	sadd.s32 $0x200, s15  }
0x139: {  	p0 =	slt.u32 s6, $0x3C;
	_ =	sdelay $0x3  }
0x13a: {  	v0 =	vadd.f32 v1, v0;
	_ =	sdelay $0x1  }
0x13b: {  	[tilespmem:s30+$0x90] =	vst v0;
	s30 =	smov.u32 s8  }
0x13c: {  	v0 =	vld [tilespmem:s15+$0xFFFFFF00]  }
0x13d: {  	v1 =	vld [tilespmem:s31+$0xFFFFFF00];
	_ =	sdelay $0x4  }
0x13e: {  	v0 =	vadd.f32 v1, v0;
	_ =	sdelay $0x1  }
0x13f: {  	[tilespmem:s8+$0xFFFFFF00] =	vst v0  }
0x140: {  	v0 =	vld [tilespmem:s31+$0xFFFFFF10]  }
0x141: {  	v1 =	vld [tilespmem:s15+$0xFFFFFF10];
	_ =	sdelay $0x4  }
0x142: {  	v0 =	vadd.f32 v0, v1;
	_ =	sdelay $0x1  }
0x143: {  	[tilespmem:s8+$0xFFFFFF10] =	vst v0  }
0x144: {  	v0 =	vld [tilespmem:s15+$0xFFFFFF80]  }
0x145: {  	v1 =	vld [tilespmem:s31+$0xFFFFFF80];
	_ =	sdelay $0x4  }
0x146: {  	v0 =	vadd.f32 v1, v0;
	_ =	sdelay $0x1  }
0x147: {  	[tilespmem:s8+$0xFFFFFF80] =	vst v0  }
0x148: {  	v0 =	vld [tilespmem:s15+$0xFFFFFF90]  }
0x149: {  	v1 =	vld [tilespmem:s31+$0xFFFFFF90];
	_ =	sdelay $0x4  }
0x14a: {  	v0 =	vadd.f32 v1, v0;
	_ =	sdelay $0x1  }
0x14b: {  	[tilespmem:s8+$0xFFFFFF90] =	vst v0  }
0x14c: {  	v0 =	vld [tilespmem:s15+$0x0]  }
0x14d: {  	v1 =	vld [tilespmem:s31+$0x0];
	_ =	sdelay $0x4  }
0x14e: {  	v0 =	vadd.f32 v1, v0;
	_ =	sdelay $0x1  }
0x14f: {  	[tilespmem:s8+$0x0] =	vst v0  }
0x150: {  	v0 =	vld [tilespmem:s15+$0x10]  }
0x151: {  	v1 =	vld [tilespmem:s31+$0x10];
	_ =	sdelay $0x4  }
0x152: {  	v0 =	vadd.f32 v1, v0;
	_ =	sdelay $0x1  }
0x153: {  	[tilespmem:s8+$0x10] =	vst v0  }
0x154: {  	v0 =	vld [tilespmem:s15+$0x80]  }
0x155: {  	v1 =	vld [tilespmem:s31+$0x80];
	_ =	sdelay $0x3  }
.Ltmp3:
0x156: {  	(pc) =	sbr.rel @p0 .LBB2_9-.Ltmp3, $3  }
0x157: {  	v0 =	vadd.f32 v1, v0;
	_ =	sdelay $0x1  }
0x158: {  	[tilespmem:s8+$0x80] =	vst v0  }
0x159: {  	s8 =	sadd.s32 $0x200, s8;
	v0 =	vld [tilespmem:s15+$0x90]  }
0x15a: {  	v1 =	vld [tilespmem:s31+$0x90];
	_ =	sdelay $0x3  }
0x15b: {  	s6 =	sadd.s32 s26, s10  }
0x15c: {  	s6 =	sshll.u32 s6, $0xA;
	v0 =	vadd.f32 v1, v0  }
0x15d: {  	s21 =	sadd.s32 $0x1, s21;
	s6 =	sand.u32 $0x1FFFFC00, s6  }
0x15e: {  	p0 =	sne.s32 s21, $0x67;
	s6 =	sadd.s32 s4, s6;
	[tilespmem:s30+$0x90] =	vst v0  }
0x15f: {  	[hbm4b:s6+s2] =	stream.linear.scatter [tilespmem:s29], [sflag:$0x4], $0x2000, $0x38;
	[tilespmem:$0x19000] =	vst v63  }
.Ltmp4:
0x160: {  	_ = 	snop;
	(pc) =	sbr.rel @p0 .LBB2_6-.Ltmp4, $4  }
0x161: {  	s30 =	sadd.s32 $0x180, s25  }
0x162: {  	[tilespmem:s20], [sflag:$0x2] =	stream.indirect.gather [hbm4b:s3+s16], $0x80, s30, s16, $0xb8;
	[tilespmem:$0x19000] =	vst v63  }
0x163: {  	s31 =	sadd.s32 $0x6980, s25  }
0x164: {  	[tilespmem:s22], [sflag:$0x2] =	stream.indirect.gather [hbm4b:s3+s16], $0x80, s31, s16, $0xb8;
	[tilespmem:$0x19000] =	vst v63  }
0x165: {  	_ =	swait.ge [sflag:s23], $0x2000  }
0x166: {  	[sflag:s23] =	ssyncset.done $0x0  }
0x167: {  	[sflag:s23] =	ssyncadd.s32 $0xFFFFE000  }
0x168: {  	_ =	swait.ge [sflag:s23], $0x2000  }
0x169: {  	[sflag:s23] =	ssyncset.done $0x0  }
0x16a: {  	[sflag:s23] =	ssyncadd.s32 $0xFFFFE000  }
0x16b: {  	_ =	swait.ge [sflag:s0], $0x2000  }
0x16c: {  	[sflag:s0] =	ssyncset.done $0x0  }
0x16d: {  	s15 =	simm.s32 $0xD100;
	[sflag:s0] =	ssyncadd.s32 $0xFFFFE000  }
0x16e: {  	s21 =	simm.s32 $0x11120;
	v0 =	vld [tilespmem:s15+$0xFFFFFF00]  }
0x16f: {  	v1 =	vld [tilespmem:s21+$0xFFFFFF00];
	_ =	sdelay $0x4  }
0x170: {  	v0 =	vadd.f32 v1, v0  }
0x171: {  	s25 =	simm.s32 $0x15100  }
0x172: {  	[tilespmem:s25+$0xFFFFFF00] =	vst v0  }
0x173: {  	v0 =	vld [tilespmem:s21+$0xFFFFFF10]  }
0x174: {  	v1 =	vld [tilespmem:s15+$0xFFFFFF10];
	_ =	sdelay $0x4  }
0x175: {  	v0 =	vadd.f32 v0, v1;
	_ =	sdelay $0x1  }
0x176: {  	[tilespmem:s25+$0xFFFFFF10] =	vst v0  }
0x177: {  	v0 =	vld [tilespmem:s15+$0xFFFFFF80]  }
0x178: {  	v1 =	vld [tilespmem:s21+$0xFFFFFF80];
	_ =	sdelay $0x4  }
0x179: {  	v0 =	vadd.f32 v1, v0;
	_ =	sdelay $0x1  }
0x17a: {  	[tilespmem:s25+$0xFFFFFF80] =	vst v0  }
0x17b: {  	v0 =	vld [tilespmem:s15+$0xFFFFFF90]  }
0x17c: {  	v1 =	vld [tilespmem:s21+$0xFFFFFF90];
	_ =	sdelay $0x4  }
0x17d: {  	v0 =	vadd.f32 v1, v0;
	_ =	sdelay $0x1  }
0x17e: {  	[tilespmem:s25+$0xFFFFFF90] =	vst v0  }
0x17f: {  	v0 =	vld [tilespmem:s15+$0x0]  }
0x180: {  	v1 =	vld [tilespmem:s21+$0x0];
	_ =	sdelay $0x4  }
0x181: {  	v0 =	vadd.f32 v1, v0;
	_ =	sdelay $0x1  }
0x182: {  	[tilespmem:s25+$0x0] =	vst v0  }
0x183: {  	v0 =	vld [tilespmem:s15+$0x10]  }
0x184: {  	v1 =	vld [tilespmem:s21+$0x10];
	_ =	sdelay $0x4  }
0x185: {  	v0 =	vadd.f32 v1, v0;
	_ =	sdelay $0x1  }
0x186: {  	[tilespmem:s25+$0x10] =	vst v0  }
0x187: {  	v0 =	vld [tilespmem:s15+$0x80]  }
0x188: {  	v1 =	vld [tilespmem:s21+$0x80];
	_ =	sdelay $0x4  }
0x189: {  	v0 =	vadd.f32 v1, v0;
	_ =	sdelay $0x1  }
0x18a: {  	[tilespmem:s25+$0x80] =	vst v0  }
0x18b: {  	s6 =	simm.s32 $0x0;
	s8 =	simm.s32 $0x15300;
	v0 =	vld [tilespmem:s15+$0x90]  }
.LBB2_12:
0x18c: {  	s6 =	sadd.s32 $0x4, s6;
	v1 =	vld [tilespmem:s21+$0x90];
	s21 =	sadd.s32 $0x200, s21;
	s15 =	sadd.s32 $0x200, s15  }
0x18d: {  	p0 =	slt.u32 s6, $0x3C;
	_ =	sdelay $0x3  }
0x18e: {  	v0 =	vadd.f32 v1, v0;
	_ =	sdelay $0x1  }
0x18f: {  	[tilespmem:s25+$0x90] =	vst v0;
	s25 =	smov.u32 s8  }
0x190: {  	v0 =	vld [tilespmem:s15+$0xFFFFFF00]  }
0x191: {  	v1 =	vld [tilespmem:s21+$0xFFFFFF00];
	_ =	sdelay $0x4  }
0x192: {  	v0 =	vadd.f32 v1, v0;
	_ =	sdelay $0x1  }
0x193: {  	[tilespmem:s8+$0xFFFFFF00] =	vst v0  }
0x194: {  	v0 =	vld [tilespmem:s21+$0xFFFFFF10]  }
0x195: {  	v1 =	vld [tilespmem:s15+$0xFFFFFF10];
	_ =	sdelay $0x4  }
0x196: {  	v0 =	vadd.f32 v0, v1;
	_ =	sdelay $0x1  }
0x197: {  	[tilespmem:s8+$0xFFFFFF10] =	vst v0  }
0x198: {  	v0 =	vld [tilespmem:s15+$0xFFFFFF80]  }
0x199: {  	v1 =	vld [tilespmem:s21+$0xFFFFFF80];
	_ =	sdelay $0x4  }
0x19a: {  	v0 =	vadd.f32 v1, v0;
	_ =	sdelay $0x1  }
0x19b: {  	[tilespmem:s8+$0xFFFFFF80] =	vst v0  }
0x19c: {  	v0 =	vld [tilespmem:s15+$0xFFFFFF90]  }
0x19d: {  	v1 =	vld [tilespmem:s21+$0xFFFFFF90];
	_ =	sdelay $0x4  }
0x19e: {  	v0 =	vadd.f32 v1, v0;
	_ =	sdelay $0x1  }
0x19f: {  	[tilespmem:s8+$0xFFFFFF90] =	vst v0  }
0x1a0: {  	v0 =	vld [tilespmem:s15+$0x0]  }
0x1a1: {  	v1 =	vld [tilespmem:s21+$0x0];
	_ =	sdelay $0x4  }
0x1a2: {  	v0 =	vadd.f32 v1, v0;
	_ =	sdelay $0x1  }
0x1a3: {  	[tilespmem:s8+$0x0] =	vst v0  }
0x1a4: {  	v0 =	vld [tilespmem:s15+$0x10]  }
0x1a5: {  	v1 =	vld [tilespmem:s21+$0x10];
	_ =	sdelay $0x4  }
0x1a6: {  	v0 =	vadd.f32 v1, v0;
	_ =	sdelay $0x1  }
0x1a7: {  	[tilespmem:s8+$0x10] =	vst v0  }
0x1a8: {  	v0 =	vld [tilespmem:s15+$0x80]  }
0x1a9: {  	v1 =	vld [tilespmem:s21+$0x80];
	_ =	sdelay $0x3  }
.Ltmp5:
0x1aa: {  	(pc) =	sbr.rel @p0 .LBB2_12-.Ltmp5, $3  }
0x1ab: {  	v0 =	vadd.f32 v1, v0;
	_ =	sdelay $0x1  }
0x1ac: {  	[tilespmem:s8+$0x80] =	vst v0  }
0x1ad: {  	s8 =	sadd.s32 $0x200, s8;
	v0 =	vld [tilespmem:s15+$0x90]  }
0x1ae: {  	v1 =	vld [tilespmem:s21+$0x90];
	_ =	sdelay $0x4  }
0x1af: {  	v0 =	vadd.f32 v1, v0;
	_ =	sdelay $0x1  }
0x1b0: {  	[tilespmem:s25+$0x90] =	vst v0  }
0x1b1: {  	[hbm4b:s11+s2] =	stream.linear.scatter [tilespmem:s24], [sflag:$0x3], $0x2000, $0x38;
	[tilespmem:$0x19000] =	vst v63  }
0x1b2: {  	_ =	swait.ge [sflag:s28], $0x2000  }
0x1b3: {  	[sflag:s28] =	ssyncset.done $0x0  }
0x1b4: {  	[sflag:s28] =	ssyncadd.s32 $0xFFFFE000  }
0x1b5: {  	_ =	swait.ge [sflag:s28], $0x2000  }
0x1b6: {  	[sflag:s28] =	ssyncset.done $0x0  }
0x1b7: {  	[sflag:s28] =	ssyncadd.s32 $0xFFFFE000  }
0x1b8: {  	_ =	swait.ge [sflag:s1], $0x2000  }
0x1b9: {  	[sflag:s1] =	ssyncset.done $0x0  }
0x1ba: {  	s15 =	simm.s32 $0xF100;
	[sflag:s1] =	ssyncadd.s32 $0xFFFFE000  }
0x1bb: {  	s21 =	simm.s32 $0x13120;
	v0 =	vld [tilespmem:s15+$0xFFFFFF00]  }
0x1bc: {  	v1 =	vld [tilespmem:s21+$0xFFFFFF00];
	_ =	sdelay $0x4  }
0x1bd: {  	v0 =	vadd.f32 v1, v0  }
0x1be: {  	s25 =	simm.s32 $0x17100  }
0x1bf: {  	[tilespmem:s25+$0xFFFFFF00] =	vst v0  }
0x1c0: {  	v0 =	vld [tilespmem:s21+$0xFFFFFF10]  }
0x1c1: {  	v1 =	vld [tilespmem:s15+$0xFFFFFF10];
	_ =	sdelay $0x4  }
0x1c2: {  	v0 =	vadd.f32 v0, v1;
	_ =	sdelay $0x1  }
0x1c3: {  	[tilespmem:s25+$0xFFFFFF10] =	vst v0  }
0x1c4: {  	v0 =	vld [tilespmem:s15+$0xFFFFFF80]  }
0x1c5: {  	v1 =	vld [tilespmem:s21+$0xFFFFFF80];
	_ =	sdelay $0x4  }
0x1c6: {  	v0 =	vadd.f32 v1, v0;
	_ =	sdelay $0x1  }
0x1c7: {  	[tilespmem:s25+$0xFFFFFF80] =	vst v0  }
0x1c8: {  	v0 =	vld [tilespmem:s15+$0xFFFFFF90]  }
0x1c9: {  	v1 =	vld [tilespmem:s21+$0xFFFFFF90];
	_ =	sdelay $0x4  }
0x1ca: {  	v0 =	vadd.f32 v1, v0;
	_ =	sdelay $0x1  }
0x1cb: {  	[tilespmem:s25+$0xFFFFFF90] =	vst v0  }
0x1cc: {  	v0 =	vld [tilespmem:s15+$0x0]  }
0x1cd: {  	v1 =	vld [tilespmem:s21+$0x0];
	_ =	sdelay $0x4  }
0x1ce: {  	v0 =	vadd.f32 v1, v0;
	_ =	sdelay $0x1  }
0x1cf: {  	[tilespmem:s25+$0x0] =	vst v0  }
0x1d0: {  	v0 =	vld [tilespmem:s15+$0x10]  }
0x1d1: {  	v1 =	vld [tilespmem:s21+$0x10];
	_ =	sdelay $0x4  }
0x1d2: {  	v0 =	vadd.f32 v1, v0;
	_ =	sdelay $0x1  }
0x1d3: {  	[tilespmem:s25+$0x10] =	vst v0  }
0x1d4: {  	v0 =	vld [tilespmem:s15+$0x80]  }
0x1d5: {  	v1 =	vld [tilespmem:s21+$0x80];
	_ =	sdelay $0x4  }
0x1d6: {  	v0 =	vadd.f32 v1, v0;
	_ =	sdelay $0x1  }
0x1d7: {  	[tilespmem:s25+$0x80] =	vst v0  }
0x1d8: {  	s6 =	simm.s32 $0x0;
	s8 =	simm.s32 $0x17300;
	v0 =	vld [tilespmem:s15+$0x90]  }
.LBB2_14:
0x1d9: {  	s6 =	sadd.s32 $0x4, s6;
	v1 =	vld [tilespmem:s21+$0x90];
	s21 =	sadd.s32 $0x200, s21;
	s15 =	sadd.s32 $0x200, s15  }
0x1da: {  	p0 =	slt.u32 s6, $0x3C;
	_ =	sdelay $0x3  }
0x1db: {  	v0 =	vadd.f32 v1, v0;
	_ =	sdelay $0x1  }
0x1dc: {  	[tilespmem:s25+$0x90] =	vst v0;
	s25 =	smov.u32 s8  }
0x1dd: {  	v0 =	vld [tilespmem:s15+$0xFFFFFF00]  }
0x1de: {  	v1 =	vld [tilespmem:s21+$0xFFFFFF00];
	_ =	sdelay $0x4  }
0x1df: {  	v0 =	vadd.f32 v1, v0;
	_ =	sdelay $0x1  }
0x1e0: {  	[tilespmem:s8+$0xFFFFFF00] =	vst v0  }
0x1e1: {  	v0 =	vld [tilespmem:s21+$0xFFFFFF10]  }
0x1e2: {  	v1 =	vld [tilespmem:s15+$0xFFFFFF10];
	_ =	sdelay $0x4  }
0x1e3: {  	v0 =	vadd.f32 v0, v1;
	_ =	sdelay $0x1  }
0x1e4: {  	[tilespmem:s8+$0xFFFFFF10] =	vst v0  }
0x1e5: {  	v0 =	vld [tilespmem:s15+$0xFFFFFF80]  }
0x1e6: {  	v1 =	vld [tilespmem:s21+$0xFFFFFF80];
	_ =	sdelay $0x4  }
0x1e7: {  	v0 =	vadd.f32 v1, v0;
	_ =	sdelay $0x1  }
0x1e8: {  	[tilespmem:s8+$0xFFFFFF80] =	vst v0  }
0x1e9: {  	v0 =	vld [tilespmem:s15+$0xFFFFFF90]  }
0x1ea: {  	v1 =	vld [tilespmem:s21+$0xFFFFFF90];
	_ =	sdelay $0x4  }
0x1eb: {  	v0 =	vadd.f32 v1, v0;
	_ =	sdelay $0x1  }
0x1ec: {  	[tilespmem:s8+$0xFFFFFF90] =	vst v0  }
0x1ed: {  	v0 =	vld [tilespmem:s15+$0x0]  }
0x1ee: {  	v1 =	vld [tilespmem:s21+$0x0];
	_ =	sdelay $0x4  }
0x1ef: {  	v0 =	vadd.f32 v1, v0;
	_ =	sdelay $0x1  }
0x1f0: {  	[tilespmem:s8+$0x0] =	vst v0  }
0x1f1: {  	v0 =	vld [tilespmem:s15+$0x10]  }
0x1f2: {  	v1 =	vld [tilespmem:s21+$0x10];
	_ =	sdelay $0x4  }
0x1f3: {  	v0 =	vadd.f32 v1, v0;
	_ =	sdelay $0x1  }
0x1f4: {  	[tilespmem:s8+$0x10] =	vst v0  }
0x1f5: {  	v0 =	vld [tilespmem:s15+$0x80]  }
0x1f6: {  	v1 =	vld [tilespmem:s21+$0x80];
	_ =	sdelay $0x3  }
.Ltmp6:
0x1f7: {  	(pc) =	sbr.rel @p0 .LBB2_14-.Ltmp6, $3  }
0x1f8: {  	v0 =	vadd.f32 v1, v0;
	_ =	sdelay $0x1  }
0x1f9: {  	[tilespmem:s8+$0x80] =	vst v0  }
0x1fa: {  	s8 =	sadd.s32 $0x200, s8;
	v0 =	vld [tilespmem:s15+$0x90]  }
0x1fb: {  	v1 =	vld [tilespmem:s21+$0x90];
	_ =	sdelay $0x4  }
0x1fc: {  	v0 =	vadd.f32 v1, v0;
	_ =	sdelay $0x1  }
0x1fd: {  	s19 =	sadd.s32 $0x1, s19;
	[tilespmem:s25+$0x90] =	vst v0  }
0x1fe: {  	[hbm4b:s12+s2] =	stream.linear.scatter [tilespmem:s29], [sflag:$0x4], $0x2000, $0x38;
	[tilespmem:$0x19000] =	vst v63  }
0x1ff: {  	p0 =	sne.s32 s19, s13;
	_ =	swait.ge [sflag:s0], $0x2000  }
.Ltmp7:
0x200: {  	[sflag:s0] =	ssyncset.done $0x0;
	(pc) =	sbr.rel @p0 .LBB2_1-.Ltmp7, $4  }
0x201: {  	[sflag:s0] =	ssyncadd.s32 $0xFFFFE000  }
0x202: {  	_ =	swait.ge [sflag:s1], $0x2000  }
0x203: {  	[sflag:s1] =	ssyncset.done $0x0  }
0x204: {  	[sflag:s1] =	ssyncadd.s32 $0xFFFFE000  }
0x205: {  	_ =	sfence.sel $0x180000  }
0x206: {  	[bflag:$0x0] =	sbarrier.arrive $0xFFFF  }
0x207: {  	_ =	strace $0x90000047  }
0x208: {  	s0 =	stileid.u32;
	[bflag:$0x2] =	sbarrier.arrive $0xFFFF  }
0x209: {  	p0 =	sne.s32 s0, $0x0;
	s0 =	rddreg [dreg:$0x2]  }
0x20a: {  	s0 =	sadd.s32 @!p0 $0x100000, s0  }
0x20b: {  	[sflag:s0] =	ssyncadd.tile.s32 @!p0 $0x1;
	_ =	shalt  }
.Lfunc_end2:
_tile_overlayer_lowered:
.L_overlay_start_2:
0x20c: {  	(tag) =	ssettag $0x2  }
0x20d: {  	s0 =	rddreg [dreg:$0x0];
	s2 =	stileid.u32  }
0x20e: {  	s1 =	rddreg [dreg:$0x1];
	p0 =	sne.s32 s2, $0x0  }
0x20f: {  	s3 =	rddreg [dreg:$0x2];
	[bflag:$0x3] =	sbarrier.arrive $0xFFFF;
	s2 =	simm.s32 @!p0 $0x1C05  }
0x210: {  	[timem:s3], [sflag:s2] =	dma.local @!p0 [hbm:s0], s1  }
0x211: {  	s0 =	simm.s32 @!p0 $0x5  }
0x212: {  	_ =	swait.ge @!p0 [sflag:s0], s1  }
0x213: {  	s1 =	ssub.s32 @!p0 $0x0, s1;
	[sflag:s0] =	ssyncset.done @!p0 $0x0  }
0x214: {  	[sflag:s0] =	ssyncadd.s32 @!p0 s1  }
0x215: {  	[bflag:$0x3] =	sbarrier.arrive $0xFFFF  }
0x216: {  	_ =	shalt  }

</sc_bundles>
